<compile_context>
chip_gen: v7x
topology: tpu7x:2x2x1
jax: 0.10.2.dev20260603
libtpu: 0.0.44.dev20260713+nightly
codegen_flags: <defaults>
</compile_context>

<pallas_src>
import functools

import jax
import jax.numpy as jnp
from jax import lax
from jax.experimental import pallas as pl
from jax.experimental.pallas import tpu as pltpu
from jax.experimental.pallas import tpu_sc as plsc

B = 8192
D = 28
H = 128
L = 256
K = 8192

NSPLIT = 1
BM = 256
BN = 512
BM2 = 512

_NC = 2
_NS = 16
_NW = _NC * _NS


def _argmin_body(z_ref, e2_ref, cbt_ref, out_ref):
    z = z_ref[...]
    z2 = jnp.sum(z * z, axis=1, keepdims=True)
    zz = (z + z).astype(jnp.bfloat16)
    run_val = jnp.full((BM, 128), jnp.inf, dtype=jnp.float32)
    run_idx = jnp.zeros((BM, 128), dtype=jnp.float32)
    io128 = lax.broadcasted_iota(jnp.int32, (1, 128), 1).astype(jnp.float32)
    for c in range(K // BN):
        cbc = cbt_ref[pl.ds(c * BN, BN), :]
        ze2 = lax.dot_general(zz, cbc, (((1,), (1,)), ((), ())),
                              preferred_element_type=jnp.float32)
        for g in range(BN // 128):
            j0 = c * BN + g * 128
            e2g = e2_ref[:, j0:j0 + 128]
            dg = (z2 + e2g) - ze2[:, g * 128:(g + 1) * 128]
            upd = dg < run_val
            run_val = jnp.minimum(dg, run_val)
            run_idx = jnp.where(upd, io128 + float(j0), run_idx)
    m = jnp.min(run_val, axis=1, keepdims=True)
    loc = jnp.min(jnp.where(run_val == m, run_idx, 3e9), axis=1, keepdims=True)
    out_ref[...] = loc.astype(jnp.int32)


def _nearest_indices(z, e2, cbt):
    rows = z.shape[0]
    return pl.pallas_call(
        _argmin_body,
        grid=(rows // BM,),
        in_specs=[
            pl.BlockSpec((BM, L), lambda i: (i, 0)),
            pl.BlockSpec((1, K), lambda i: (0, 0)),
            pl.BlockSpec((K, L), lambda i: (0, 0)),
        ],
        out_specs=pl.BlockSpec((BM, 1), lambda i: (i, 0)),
        out_shape=jax.ShapeDtypeStruct((rows, 1), jnp.int32),
    )(z, e2, cbt)


@functools.cache
def _make_sc_gather(rows):
    bpw = rows // _NW

    @functools.partial(
        pl.kernel,
        out_type=jax.ShapeDtypeStruct((rows, L), jnp.float32),
        mesh=plsc.VectorSubcoreMesh(core_axis_name="c", subcore_axis_name="s"),
        scratch_types=[
            pltpu.VMEM((bpw,), jnp.int32),
            pltpu.VMEM((bpw, L), jnp.float32),
            pltpu.SemaphoreType.DMA,
        ],
    )
    def _sc_gather_kernel(table_hbm, idx_hbm, out_hbm, idx_v, rows_v, sem):
        wid = lax.axis_index("s") * _NC + lax.axis_index("c")
        base = wid * bpw
        pltpu.sync_copy(idx_hbm.at[pl.ds(base, bpw)], idx_v)
        pltpu.async_copy(table_hbm.at[idx_v], rows_v, sem).wait()
        pltpu.sync_copy(rows_v, out_hbm.at[pl.ds(base, bpw)])

    return _sc_gather_kernel


def _sc_gather(table, idx):
    return _make_sc_gather(idx.shape[0])(table, idx)


def _decoder_body(x_ref, z_ref, q_ref, w1_ref, b1_ref, w2_ref, b2_ref,
                  recon_ref, sq_ref, sr_ref):
    i = pl.program_id(0)
    q = q_ref[...]
    z = z_ref[...]
    x = x_ref[...]
    hd = jnp.maximum(
        lax.dot_general(q, w1_ref[...], (((1,), (0,)), ((), ())),
                        preferred_element_type=jnp.float32) + b1_ref[...],
        0.0)
    recon = lax.dot_general(hd, w2_ref[...], (((1,), (0,)), ((), ())),
                            preferred_element_type=jnp.float32) + b2_ref[...]
    recon_ref[...] = recon
    psq = jnp.sum((z - q) ** 2).reshape(1, 1)
    psr = jnp.sum((recon - x) ** 2).reshape(1, 1)

    @pl.when(i == 0)
    def _():
        sq_ref[...] = psq
        sr_ref[...] = psr

    @pl.when(i > 0)
    def _():
        sq_ref[...] += psq
        sr_ref[...] += psr


def _decode(x, z, q, dec_w1, dec_b1, dec_w2, dec_b2):
    rows = x.shape[0]
    return pl.pallas_call(
        _decoder_body,
        grid=(rows // BM2,),
        in_specs=[
            pl.BlockSpec((BM2, D), lambda i: (i, 0)),
            pl.BlockSpec((BM2, L), lambda i: (i, 0)),
            pl.BlockSpec((BM2, L), lambda i: (i, 0)),
            pl.BlockSpec((L, H), lambda i: (0, 0)),
            pl.BlockSpec((1, H), lambda i: (0, 0)),
            pl.BlockSpec((H, D), lambda i: (0, 0)),
            pl.BlockSpec((1, D), lambda i: (0, 0)),
        ],
        out_specs=[
            pl.BlockSpec((BM2, D), lambda i: (i, 0)),
            pl.BlockSpec((1, 1), lambda i: (0, 0)),
            pl.BlockSpec((1, 1), lambda i: (0, 0)),
        ],
        out_shape=[
            jax.ShapeDtypeStruct((rows, D), jnp.float32),
            jax.ShapeDtypeStruct((1, 1), jnp.float32),
            jax.ShapeDtypeStruct((1, 1), jnp.float32),
        ],
    )(x, z, q, dec_w1, dec_b1.reshape(1, H), dec_w2, dec_b2.reshape(1, D))


def kernel(x, enc_w1, enc_b1, enc_w2, enc_b2, codebook,
           dec_w1, dec_b1, dec_w2, dec_b2):
    h = jax.nn.relu(x @ enc_w1 + enc_b1)
    z = h @ enc_w2 + enc_b2
    e2 = jnp.sum(codebook ** 2, axis=1).reshape(1, K)
    cbt = codebook.astype(jnp.bfloat16)

    rows = B // NSPLIT
    recons, sqs, srs = [], [], []
    for s in range(NSPLIT):
        sl = slice(s * rows, (s + 1) * rows)
        idx = _nearest_indices(z[sl], e2, cbt).reshape(rows)
        q = _sc_gather(codebook, idx)
        recon_s, ssq, ssr = _decode(x[sl], z[sl], q,
                                    dec_w1, dec_b1, dec_w2, dec_b2)
        recons.append(recon_s)
        sqs.append(ssq[0, 0])
        srs.append(ssr[0, 0])

    recon = recons[0] if len(recons) == 1 else jnp.concatenate(recons, axis=0)
    vq_loss = (sum(sqs) / (B * L)) * 1.25
    recon_loss = sum(srs) / (B * D)
    return (recon, recon_loss, vq_loss)

# --- scband reference (transcript-rebuilt; emitter-appended) ---
"""Pipeline reference for scband-action-vqvae-38431367365102 (READ-ONLY COPY).

The authoritative reference and input builder live on the scoring server;
editing this copy changes nothing except your own understanding.
"""

import jax, jax.numpy as jnp
import numpy as np

B = 8192
D = 28   # chunk_size * action_dim = 4 * 7
H = 128
L = 256  # latent_dim
K = 8192 # num_codes


def setup_inputs(seed: int = 0) -> dict:
    key = jax.random.key(seed)
    ks = jax.random.split(key, 10)
    inp = {
        "x": jax.random.normal(ks[0], (B, D), dtype=jnp.float32),
        "enc_w1": jax.random.normal(ks[1], (D, H), dtype=jnp.float32) * 0.05,
        "enc_b1": jnp.zeros((H,), dtype=jnp.float32),
        "enc_w2": jax.random.normal(ks[2], (H, L), dtype=jnp.float32) * 0.05,
        "enc_b2": jnp.zeros((L,), dtype=jnp.float32),
        "codebook": jax.random.uniform(ks[3], (K, L), dtype=jnp.float32, minval=-1.0 / K, maxval=1.0 / K),
        "dec_w1": jax.random.normal(ks[4], (L, H), dtype=jnp.float32) * 0.05,
        "dec_b1": jnp.zeros((H,), dtype=jnp.float32),
        "dec_w2": jax.random.normal(ks[5], (H, D), dtype=jnp.float32) * 0.05,
        "dec_b2": jnp.zeros((D,), dtype=jnp.float32),
    }
    return inp


def reference(x, enc_w1, enc_b1, enc_w2, enc_b2, codebook, dec_w1, dec_b1, dec_w2, dec_b2):
    commitment_cost = 0.25
    # encoder
    h = jax.nn.relu(x @ enc_w1 + enc_b1)
    z = h @ enc_w2 + enc_b2
    # nearest codes
    z2 = jnp.sum(z ** 2, axis=1, keepdims=True)
    e2 = jnp.sum(codebook ** 2, axis=1)
    ze = z @ codebook.T
    distances = z2 + e2 - 2.0 * ze
    indices = jnp.argmin(distances, axis=1)
    quantized = jnp.take(codebook, indices, axis=0)
    # losses
    codebook_loss = jnp.mean((jax.lax.stop_gradient(z) - quantized) ** 2)
    commitment_loss = jnp.mean((z - jax.lax.stop_gradient(quantized)) ** 2)
    vq_loss = codebook_loss + commitment_cost * commitment_loss
    # straight-through
    z_q = z + jax.lax.stop_gradient(quantized - z)
    # decoder
    hd = jax.nn.relu(z_q @ dec_w1 + dec_b1)
    recon = hd @ dec_w2 + dec_b2
    recon_loss = jnp.mean((recon - x) ** 2)
    return (recon, recon_loss, vq_loss)

if __name__ == "__main__":
    import jax
    _d = setup_inputs()
    print(jax.jit(kernel)(*tuple(_d.values())))

</pallas_src>

<mosaic_0001>
#map = affine_map<(d0, d1) -> (0, 0)>
#map1 = affine_map<(d0, d1) -> (0)>
module attributes {stable_mosaic.version = 14 : i64} {
  func.func @_sc_gather_kernel(%arg0: i32, %arg1: i32, %arg2: memref<8192x256xf32, #tpu.memory_space<hbm>>, %arg3: memref<8192xi32, #tpu.memory_space<hbm>>, %arg4: memref<8192x256xf32, #tpu.memory_space<hbm>>, %arg5: memref<256xi32, #tpu.memory_space<vmem>>, %arg6: memref<256x256xf32, #tpu.memory_space<vmem>>, %arg7: memref<!tpu.dma_semaphore, #tpu.memory_space<semaphore_mem>>) attributes {dimension_semantics = [#tpu.dimension_semantics<core_parallel>, #tpu.dimension_semantics<subcore_parallel>], iteration_bounds = array<i64: 2, 16>, scalar_prefetch = 0 : i64, scratch_operands = 3 : i64, tpu.core_type = #tpu.core_type<sc_vector_subcore>, window_params = [{transform_indices = #map}, {transform_indices = #map1}, {transform_indices = #map}]} {
    %mul3A = arith.constant 2 : i32
    %mul3A_0 = arith.muli %arg1, %mul3A : i32
    %add3A = arith.addi %mul3A_0, %arg0 : i32
    %mul3A_1 = arith.constant 256 : i32
    %mul3A_2 = arith.muli %add3A, %mul3A_1 : i32
    "tpu.region"() ({
      %run_scoped3A = tpu.sem_alloc : memref<!tpu.dma_semaphore, #tpu.memory_space<semaphore_mem>>
      %dma_start3A_7 = tpu.memref_slice %arg3[%mul3A_2] : memref<8192xi32, #tpu.memory_space<hbm>> -> memref<256xi32, #tpu.memory_space<hbm>>
      %dma_start3A_8 = tpu.memref_slice %arg3[%mul3A_2] : memref<8192xi32, #tpu.memory_space<hbm>> -> memref<256xi32, #tpu.memory_space<hbm>>
      tpu.enqueue_dma source(%dma_start3A_8 : memref<256xi32, #tpu.memory_space<hbm>>) target(%arg5 : memref<256xi32, #tpu.memory_space<vmem>>) target_semaphore(%run_scoped3A : memref<!tpu.dma_semaphore, #tpu.memory_space<semaphore_mem>>)
      %dma_wait3A_9 = tpu.memref_slice %arg3[%mul3A_2] : memref<8192xi32, #tpu.memory_space<hbm>> -> memref<256xi32, #tpu.memory_space<hbm>>
      %dma_wait3A_10 = tpu.memref_slice %arg3[%mul3A_2] : memref<8192xi32, #tpu.memory_space<hbm>> -> memref<256xi32, #tpu.memory_space<hbm>>
      tpu.wait_dma2 semaphore(%run_scoped3A : memref<!tpu.dma_semaphore, #tpu.memory_space<semaphore_mem>>) src(%dma_wait3A_10 : memref<256xi32, #tpu.memory_space<hbm>>) dst(%arg5 : memref<256xi32, #tpu.memory_space<vmem>>)
      tpu.yield
    }) : () -> ()
    %dma_start3A = arith.constant 0 : i32
    %dma_start3A_3 = arith.constant 0 : i32
    %dma_start3A_4 = tpu.memref_slice %arg2[%dma_start3A, %dma_start3A_3] : memref<8192x256xf32, #tpu.memory_space<hbm>> -> memref<8192x256xf32, #tpu.memory_space<hbm>>
    tpu.enqueue_indirect_dma source(%dma_start3A_4 : memref<8192x256xf32, #tpu.memory_space<hbm>>) target(%arg6 : memref<256x256xf32, #tpu.memory_space<vmem>>) offsets(%arg5 : memref<256xi32, #tpu.memory_space<vmem>>) semaphore(%arg7 : memref<!tpu.dma_semaphore, #tpu.memory_space<semaphore_mem>>)
    %dma_wait3A = arith.constant 0 : i32
    %dma_wait3A_5 = arith.constant 0 : i32
    %dma_wait3A_6 = tpu.memref_slice %arg2[%dma_wait3A, %dma_wait3A_5] : memref<8192x256xf32, #tpu.memory_space<hbm>> -> memref<8192x256xf32, #tpu.memory_space<hbm>>
    tpu.wait_indirect_dma semaphore(%arg7 : memref<!tpu.dma_semaphore, #tpu.memory_space<semaphore_mem>>) src(%dma_wait3A_6 : memref<8192x256xf32, #tpu.memory_space<hbm>>) dst(%arg6 : memref<256x256xf32, #tpu.memory_space<vmem>>)
    "tpu.region"() ({
      %run_scoped3A = tpu.sem_alloc : memref<!tpu.dma_semaphore, #tpu.memory_space<semaphore_mem>>
      %dma_start3A_7 = arith.constant 0 : i32
      %dma_start3A_8 = tpu.memref_slice %arg4[%mul3A_2, %dma_start3A_7] : memref<8192x256xf32, #tpu.memory_space<hbm>> -> memref<256x256xf32, #tpu.memory_space<hbm>>
      %dma_start3A_9 = arith.constant 0 : i32
      %dma_start3A_10 = tpu.memref_slice %arg4[%mul3A_2, %dma_start3A_9] : memref<8192x256xf32, #tpu.memory_space<hbm>> -> memref<256x256xf32, #tpu.memory_space<hbm>>
      tpu.enqueue_dma source(%arg6 : memref<256x256xf32, #tpu.memory_space<vmem>>) target(%dma_start3A_10 : memref<256x256xf32, #tpu.memory_space<hbm>>) target_semaphore(%run_scoped3A : memref<!tpu.dma_semaphore, #tpu.memory_space<semaphore_mem>>)
      %dma_wait3A_11 = arith.constant 0 : i32
      %dma_wait3A_12 = tpu.memref_slice %arg4[%mul3A_2, %dma_wait3A_11] : memref<8192x256xf32, #tpu.memory_space<hbm>> -> memref<256x256xf32, #tpu.memory_space<hbm>>
      %dma_wait3A_13 = arith.constant 0 : i32
      %dma_wait3A_14 = tpu.memref_slice %arg4[%mul3A_2, %dma_wait3A_13] : memref<8192x256xf32, #tpu.memory_space<hbm>> -> memref<256x256xf32, #tpu.memory_space<hbm>>
      tpu.wait_dma2 semaphore(%run_scoped3A : memref<!tpu.dma_semaphore, #tpu.memory_space<semaphore_mem>>) src(%arg6 : memref<256x256xf32, #tpu.memory_space<vmem>>) dst(%dma_wait3A_14 : memref<256x256xf32, #tpu.memory_space<hbm>>)
      tpu.yield
    }) : () -> ()
    return
  }
}

module attributes {stable_mosaic.version = 14 : i64} {
  func.func @_argmin_body(%arg0: i32, %arg1: memref<256x256xf32, #tpu.memory_space<vmem>>, %arg2: memref<1x8192xf32, #tpu.memory_space<vmem>>, %arg3: memref<8192x256xbf16, #tpu.memory_space<vmem>>, %arg4: memref<256x1xi32, #tpu.memory_space<vmem>>) attributes {dimension_semantics = [#tpu.dimension_semantics<arbitrary>], iteration_bounds = array<i64: 32>, scalar_prefetch = 0 : i64, scratch_operands = 0 : i64, tpu.core_type = #tpu.core_type<tc>, window_params = [{transform_indices = @transform_0, window_bounds = array<i64: 256, 256>}, {pipeline_mode = #tpu.pipeline_mode<synchronous>, transform_indices = @transform_1, window_bounds = array<i64: 1, 8192>}, {pipeline_mode = #tpu.pipeline_mode<synchronous>, transform_indices = @transform_2, window_bounds = array<i64: 8192, 256>}, {transform_indices = @transform_3, window_bounds = array<i64: 256, 1>}]} {
    %get3A = arith.constant 0 : index
    %get3A_0 = arith.constant 0 : index
    %get3A_1 = vector.load %arg1[%get3A, %get3A_0] : memref<256x256xf32, #tpu.memory_space<vmem>>, vector<256x256xf32>
    %mul3A = arith.mulf %get3A_1, %get3A_1 : vector<256x256xf32>
    %reduce_sum3A = arith.constant dense<0.000000e+00> : vector<256xf32>
    %reduce_sum3A_2 = vector.multi_reduction <add>, %mul3A, %reduce_sum3A [1] : vector<256x256xf32> to vector<256xf32>
    %broadcast_in_dim3A = vector.shape_cast %reduce_sum3A_2 : vector<256xf32> to vector<256x1xf32>
    %add3A = arith.addf %get3A_1, %get3A_1 : vector<256x256xf32>
    %convert_element_type3A = arith.truncf %add3A : vector<256x256xf32> to vector<256x256xbf16>
    %broadcast_in_dim3A_3 = arith.constant 0x7F800000 : f32
    %broadcast_in_dim3A_4 = vector.broadcast %broadcast_in_dim3A_3 : f32 to vector<256x128xf32>
    %broadcast_in_dim3A_5 = arith.constant 0.000000e+00 : f32
    %broadcast_in_dim3A_6 = vector.broadcast %broadcast_in_dim3A_5 : f32 to vector<256x128xf32>
    %iota3A = tpu.iota {dimensions = array<i32: 1>} : vector<1x128xi32>
    %convert_element_type3A_7 = arith.sitofp %iota3A : vector<1x128xi32> to vector<1x128xf32>
    %get3A_8 = arith.constant 0 : index
    %get3A_9 = arith.constant 0 : index
    %get3A_10 = vector.load %arg3[%get3A_8, %get3A_9] : memref<8192x256xbf16, #tpu.memory_space<vmem>>, vector<512x256xbf16>
    %dot_general3A = arith.constant dense<0.000000e+00> : vector<256x512xf32>
    %dot_general3A_11 = tpu.matmul %convert_element_type3A, %get3A_10, %dot_general3A {dimension_numbers = #tpu.dot_dimension_numbers<[1], [1], [0], [0], [0, 0, 1, 0], [], []>, transpose_lhs_hint = false} : vector<256x256xbf16>, vector<512x256xbf16>, vector<256x512xf32> -> vector<256x512xf32>
    %get3A_12 = arith.constant 0 : index
    %get3A_13 = arith.constant 0 : index
    %get3A_14 = vector.load %arg2[%get3A_12, %get3A_13] : memref<1x8192xf32, #tpu.memory_space<vmem>>, vector<1x128xf32>
    %add3A_15 = vector.broadcast %broadcast_in_dim3A : vector<256x1xf32> to vector<256x128xf32>
    %add3A_16 = vector.broadcast %get3A_14 : vector<1x128xf32> to vector<256x128xf32>
    %add3A_17 = arith.addf %add3A_15, %add3A_16 : vector<256x128xf32>
    %slice3A = vector.extract_strided_slice %dot_general3A_11 {offsets = [0, 0], sizes = [256, 128], strides = [1, 1]} : vector<256x512xf32> to vector<256x128xf32>
    %sub3A = arith.subf %add3A_17, %slice3A : vector<256x128xf32>
    %lt3A = arith.cmpf olt, %sub3A, %broadcast_in_dim3A_4 : vector<256x128xf32>
    %min3A = arith.minimumf %sub3A, %broadcast_in_dim3A_4 : vector<256x128xf32>
    %add3A_18 = arith.constant 0.000000e+00 : f32
    %add3A_19 = vector.broadcast %add3A_18 : f32 to vector<1x128xf32>
    %add3A_20 = arith.addf %convert_element_type3A_7, %add3A_19 : vector<1x128xf32>
    %broadcast_in_dim3A_21 = vector.shape_cast %add3A_20 : vector<1x128xf32> to vector<1x128xf32>
    %broadcast_in_dim3A_22 = vector.broadcast %broadcast_in_dim3A_21 : vector<1x128xf32> to vector<256x128xf32>
    %select_n3A = arith.select %lt3A, %broadcast_in_dim3A_22, %broadcast_in_dim3A_6 : vector<256x128xi1>, vector<256x128xf32>
    %get3A_23 = arith.constant 0 : index
    %get3A_24 = arith.constant 128 : index
    %get3A_25 = vector.load %arg2[%get3A_23, %get3A_24] : memref<1x8192xf32, #tpu.memory_space<vmem>>, vector<1x128xf32>
    %add3A_26 = vector.broadcast %broadcast_in_dim3A : vector<256x1xf32> to vector<256x128xf32>
    %add3A_27 = vector.broadcast %get3A_25 : vector<1x128xf32> to vector<256x128xf32>
    %add3A_28 = arith.addf %add3A_26, %add3A_27 : vector<256x128xf32>
    %slice3A_29 = vector.extract_strided_slice %dot_general3A_11 {offsets = [0, 128], sizes = [256, 128], strides = [1, 1]} : vector<256x512xf32> to vector<256x128xf32>
    %sub3A_30 = arith.subf %add3A_28, %slice3A_29 : vector<256x128xf32>
    %lt3A_31 = arith.cmpf olt, %sub3A_30, %min3A : vector<256x128xf32>
    %min3A_32 = arith.minimumf %sub3A_30, %min3A : vector<256x128xf32>
    %add3A_33 = arith.constant 1.280000e+02 : f32
    %add3A_34 = vector.broadcast %add3A_33 : f32 to vector<1x128xf32>
    %add3A_35 = arith.addf %convert_element_type3A_7, %add3A_34 : vector<1x128xf32>
    %broadcast_in_dim3A_36 = vector.shape_cast %add3A_35 : vector<1x128xf32> to vector<1x128xf32>
    %broadcast_in_dim3A_37 = vector.broadcast %broadcast_in_dim3A_36 : vector<1x128xf32> to vector<256x128xf32>
    %select_n3A_38 = arith.select %lt3A_31, %broadcast_in_dim3A_37, %select_n3A : vector<256x128xi1>, vector<256x128xf32>
    %get3A_39 = arith.constant 0 : index
    %get3A_40 = arith.constant 256 : index
    %get3A_41 = vector.load %arg2[%get3A_39, %get3A_40] : memref<1x8192xf32, #tpu.memory_space<vmem>>, vector<1x128xf32>
    %add3A_42 = vector.broadcast %broadcast_in_dim3A : vector<256x1xf32> to vector<256x128xf32>
    %add3A_43 = vector.broadcast %get3A_41 : vector<1x128xf32> to vector<256x128xf32>
    %add3A_44 = arith.addf %add3A_42, %add3A_43 : vector<256x128xf32>
    %slice3A_45 = vector.extract_strided_slice %dot_general3A_11 {offsets = [0, 256], sizes = [256, 128], strides = [1, 1]} : vector<256x512xf32> to vector<256x128xf32>
    %sub3A_46 = arith.subf %add3A_44, %slice3A_45 : vector<256x128xf32>
    %lt3A_47 = arith.cmpf olt, %sub3A_46, %min3A_32 : vector<256x128xf32>
    %min3A_48 = arith.minimumf %sub3A_46, %min3A_32 : vector<256x128xf32>
    %add3A_49 = arith.constant 2.560000e+02 : f32
    %add3A_50 = vector.broadcast %add3A_49 : f32 to vector<1x128xf32>
    %add3A_51 = arith.addf %convert_element_type3A_7, %add3A_50 : vector<1x128xf32>
    %broadcast_in_dim3A_52 = vector.shape_cast %add3A_51 : vector<1x128xf32> to vector<1x128xf32>
    %broadcast_in_dim3A_53 = vector.broadcast %broadcast_in_dim3A_52 : vector<1x128xf32> to vector<256x128xf32>
    %select_n3A_54 = arith.select %lt3A_47, %broadcast_in_dim3A_53, %select_n3A_38 : vector<256x128xi1>, vector<256x128xf32>
    %get3A_55 = arith.constant 0 : index
    %get3A_56 = arith.constant 384 : index
    %get3A_57 = vector.load %arg2[%get3A_55, %get3A_56] : memref<1x8192xf32, #tpu.memory_space<vmem>>, vector<1x128xf32>
    %add3A_58 = vector.broadcast %broadcast_in_dim3A : vector<256x1xf32> to vector<256x128xf32>
    %add3A_59 = vector.broadcast %get3A_57 : vector<1x128xf32> to vector<256x128xf32>
    %add3A_60 = arith.addf %add3A_58, %add3A_59 : vector<256x128xf32>
    %slice3A_61 = vector.extract_strided_slice %dot_general3A_11 {offsets = [0, 384], sizes = [256, 128], strides = [1, 1]} : vector<256x512xf32> to vector<256x128xf32>
    %sub3A_62 = arith.subf %add3A_60, %slice3A_61 : vector<256x128xf32>
    %lt3A_63 = arith.cmpf olt, %sub3A_62, %min3A_48 : vector<256x128xf32>
    %min3A_64 = arith.minimumf %sub3A_62, %min3A_48 : vector<256x128xf32>
    %add3A_65 = arith.constant 3.840000e+02 : f32
    %add3A_66 = vector.broadcast %add3A_65 : f32 to vector<1x128xf32>
    %add3A_67 = arith.addf %convert_element_type3A_7, %add3A_66 : vector<1x128xf32>
    %broadcast_in_dim3A_68 = vector.shape_cast %add3A_67 : vector<1x128xf32> to vector<1x128xf32>
    %broadcast_in_dim3A_69 = vector.broadcast %broadcast_in_dim3A_68 : vector<1x128xf32> to vector<256x128xf32>
    %select_n3A_70 = arith.select %lt3A_63, %broadcast_in_dim3A_69, %select_n3A_54 : vector<256x128xi1>, vector<256x128xf32>
    %get3A_71 = arith.constant 512 : index
    %get3A_72 = arith.constant 0 : index
    %get3A_73 = vector.load %arg3[%get3A_71, %get3A_72] : memref<8192x256xbf16, #tpu.memory_space<vmem>>, vector<512x256xbf16>
    %dot_general3A_74 = arith.constant dense<0.000000e+00> : vector<256x512xf32>
    %dot_general3A_75 = tpu.matmul %convert_element_type3A, %get3A_73, %dot_general3A_74 {dimension_numbers = #tpu.dot_dimension_numbers<[1], [1], [0], [0], [0, 0, 1, 0], [], []>, transpose_lhs_hint = false} : vector<256x256xbf16>, vector<512x256xbf16>, vector<256x512xf32> -> vector<256x512xf32>
    %get3A_76 = arith.constant 0 : index
    %get3A_77 = arith.constant 512 : index
    %get3A_78 = vector.load %arg2[%get3A_76, %get3A_77] : memref<1x8192xf32, #tpu.memory_space<vmem>>, vector<1x128xf32>
    %add3A_79 = vector.broadcast %broadcast_in_dim3A : vector<256x1xf32> to vector<256x128xf32>
    %add3A_80 = vector.broadcast %get3A_78 : vector<1x128xf32> to vector<256x128xf32>
    %add3A_81 = arith.addf %add3A_79, %add3A_80 : vector<256x128xf32>
    %slice3A_82 = vector.extract_strided_slice %dot_general3A_75 {offsets = [0, 0], sizes = [256, 128], strides = [1, 1]} : vector<256x512xf32> to vector<256x128xf32>
    %sub3A_83 = arith.subf %add3A_81, %slice3A_82 : vector<256x128xf32>
    %lt3A_84 = arith.cmpf olt, %sub3A_83, %min3A_64 : vector<256x128xf32>
    %min3A_85 = arith.minimumf %sub3A_83, %min3A_64 : vector<256x128xf32>
    %add3A_86 = arith.constant 5.120000e+02 : f32
    %add3A_87 = vector.broadcast %add3A_86 : f32 to vector<1x128xf32>
    %add3A_88 = arith.addf %convert_element_type3A_7, %add3A_87 : vector<1x128xf32>
    %broadcast_in_dim3A_89 = vector.shape_cast %add3A_88 : vector<1x128xf32> to vector<1x128xf32>
    %broadcast_in_dim3A_90 = vector.broadcast %broadcast_in_dim3A_89 : vector<1x128xf32> to vector<256x128xf32>
    %select_n3A_91 = arith.select %lt3A_84, %broadcast_in_dim3A_90, %select_n3A_70 : vector<256x128xi1>, vector<256x128xf32>
    %get3A_92 = arith.constant 0 : index
    %get3A_93 = arith.constant 640 : index
    %get3A_94 = vector.load %arg2[%get3A_92, %get3A_93] : memref<1x8192xf32, #tpu.memory_space<vmem>>, vector<1x128xf32>
    %add3A_95 = vector.broadcast %broadcast_in_dim3A : vector<256x1xf32> to vector<256x128xf32>
    %add3A_96 = vector.broadcast %get3A_94 : vector<1x128xf32> to vector<256x128xf32>
    %add3A_97 = arith.addf %add3A_95, %add3A_96 : vector<256x128xf32>
    %slice3A_98 = vector.extract_strided_slice %dot_general3A_75 {offsets = [0, 128], sizes = [256, 128], strides = [1, 1]} : vector<256x512xf32> to vector<256x128xf32>
    %sub3A_99 = arith.subf %add3A_97, %slice3A_98 : vector<256x128xf32>
    %lt3A_100 = arith.cmpf olt, %sub3A_99, %min3A_85 : vector<256x128xf32>
    %min3A_101 = arith.minimumf %sub3A_99, %min3A_85 : vector<256x128xf32>
    %add3A_102 = arith.constant 6.400000e+02 : f32
    %add3A_103 = vector.broadcast %add3A_102 : f32 to vector<1x128xf32>
    %add3A_104 = arith.addf %convert_element_type3A_7, %add3A_103 : vector<1x128xf32>
    %broadcast_in_dim3A_105 = vector.shape_cast %add3A_104 : vector<1x128xf32> to vector<1x128xf32>
    %broadcast_in_dim3A_106 = vector.broadcast %broadcast_in_dim3A_105 : vector<1x128xf32> to vector<256x128xf32>
    %select_n3A_107 = arith.select %lt3A_100, %broadcast_in_dim3A_106, %select_n3A_91 : vector<256x128xi1>, vector<256x128xf32>
    %get3A_108 = arith.constant 0 : index
    %get3A_109 = arith.constant 768 : index
    %get3A_110 = vector.load %arg2[%get3A_108, %get3A_109] : memref<1x8192xf32, #tpu.memory_space<vmem>>, vector<1x128xf32>
    %add3A_111 = vector.broadcast %broadcast_in_dim3A : vector<256x1xf32> to vector<256x128xf32>
    %add3A_112 = vector.broadcast %get3A_110 : vector<1x128xf32> to vector<256x128xf32>
    %add3A_113 = arith.addf %add3A_111, %add3A_112 : vector<256x128xf32>
    %slice3A_114 = vector.extract_strided_slice %dot_general3A_75 {offsets = [0, 256], sizes = [256, 128], strides = [1, 1]} : vector<256x512xf32> to vector<256x128xf32>
    %sub3A_115 = arith.subf %add3A_113, %slice3A_114 : vector<256x128xf32>
    %lt3A_116 = arith.cmpf olt, %sub3A_115, %min3A_101 : vector<256x128xf32>
    %min3A_117 = arith.minimumf %sub3A_115, %min3A_101 : vector<256x128xf32>
    %add3A_118 = arith.constant 7.680000e+02 : f32
    %add3A_119 = vector.broadcast %add3A_118 : f32 to vector<1x128xf32>
    %add3A_120 = arith.addf %convert_element_type3A_7, %add3A_119 : vector<1x128xf32>
    %broadcast_in_dim3A_121 = vector.shape_cast %add3A_120 : vector<1x128xf32> to vector<1x128xf32>
    %broadcast_in_dim3A_122 = vector.broadcast %broadcast_in_dim3A_121 : vector<1x128xf32> to vector<256x128xf32>
    %select_n3A_123 = arith.select %lt3A_116, %broadcast_in_dim3A_122, %select_n3A_107 : vector<256x128xi1>, vector<256x128xf32>
    %get3A_124 = arith.constant 0 : index
    %get3A_125 = arith.constant 896 : index
    %get3A_126 = vector.load %arg2[%get3A_124, %get3A_125] : memref<1x8192xf32, #tpu.memory_space<vmem>>, vector<1x128xf32>
    %add3A_127 = vector.broadcast %broadcast_in_dim3A : vector<256x1xf32> to vector<256x128xf32>
    %add3A_128 = vector.broadcast %get3A_126 : vector<1x128xf32> to vector<256x128xf32>
    %add3A_129 = arith.addf %add3A_127, %add3A_128 : vector<256x128xf32>
    %slice3A_130 = vector.extract_strided_slice %dot_general3A_75 {offsets = [0, 384], sizes = [256, 128], strides = [1, 1]} : vector<256x512xf32> to vector<256x128xf32>
    %sub3A_131 = arith.subf %add3A_129, %slice3A_130 : vector<256x128xf32>
    %lt3A_132 = arith.cmpf olt, %sub3A_131, %min3A_117 : vector<256x128xf32>
    %min3A_133 = arith.minimumf %sub3A_131, %min3A_117 : vector<256x128xf32>
    %add3A_134 = arith.constant 8.960000e+02 : f32
    %add3A_135 = vector.broadcast %add3A_134 : f32 to vector<1x128xf32>
    %add3A_136 = arith.addf %convert_element_type3A_7, %add3A_135 : vector<1x128xf32>
    %broadcast_in_dim3A_137 = vector.shape_cast %add3A_136 : vector<1x128xf32> to vector<1x128xf32>
    %broadcast_in_dim3A_138 = vector.broadcast %broadcast_in_dim3A_137 : vector<1x128xf32> to vector<256x128xf32>
    %select_n3A_139 = arith.select %lt3A_132, %broadcast_in_dim3A_138, %select_n3A_123 : vector<256x128xi1>, vector<256x128xf32>
    %get3A_140 = arith.constant 1024 : index
    %get3A_141 = arith.constant 0 : index
    %get3A_142 = vector.load %arg3[%get3A_140, %get3A_141] : memref<8192x256xbf16, #tpu.memory_space<vmem>>, vector<512x256xbf16>
    %dot_general3A_143 = arith.constant dense<0.000000e+00> : vector<256x512xf32>
    %dot_general3A_144 = tpu.matmul %convert_element_type3A, %get3A_142, %dot_general3A_143 {dimension_numbers = #tpu.dot_dimension_numbers<[1], [1], [0], [0], [0, 0, 1, 0], [], []>, transpose_lhs_hint = false} : vector<256x256xbf16>, vector<512x256xbf16>, vector<256x512xf32> -> vector<256x512xf32>
    %get3A_145 = arith.constant 0 : index
    %get3A_146 = arith.constant 1024 : index
    %get3A_147 = vector.load %arg2[%get3A_145, %get3A_146] : memref<1x8192xf32, #tpu.memory_space<vmem>>, vector<1x128xf32>
    %add3A_148 = vector.broadcast %broadcast_in_dim3A : vector<256x1xf32> to vector<256x128xf32>
    %add3A_149 = vector.broadcast %get3A_147 : vector<1x128xf32> to vector<256x128xf32>
    %add3A_150 = arith.addf %add3A_148, %add3A_149 : vector<256x128xf32>
    %slice3A_151 = vector.extract_strided_slice %dot_general3A_144 {offsets = [0, 0], sizes = [256, 128], strides = [1, 1]} : vector<256x512xf32> to vector<256x128xf32>
    %sub3A_152 = arith.subf %add3A_150, %slice3A_151 : vector<256x128xf32>
    %lt3A_153 = arith.cmpf olt, %sub3A_152, %min3A_133 : vector<256x128xf32>
    %min3A_154 = arith.minimumf %sub3A_152, %min3A_133 : vector<256x128xf32>
    %add3A_155 = arith.constant 1.024000e+03 : f32
    %add3A_156 = vector.broadcast %add3A_155 : f32 to vector<1x128xf32>
    %add3A_157 = arith.addf %convert_element_type3A_7, %add3A_156 : vector<1x128xf32>
    %broadcast_in_dim3A_158 = vector.shape_cast %add3A_157 : vector<1x128xf32> to vector<1x128xf32>
    %broadcast_in_dim3A_159 = vector.broadcast %broadcast_in_dim3A_158 : vector<1x128xf32> to vector<256x128xf32>
    %select_n3A_160 = arith.select %lt3A_153, %broadcast_in_dim3A_159, %select_n3A_139 : vector<256x128xi1>, vector<256x128xf32>
    %get3A_161 = arith.constant 0 : index
    %get3A_162 = arith.constant 1152 : index
    %get3A_163 = vector.load %arg2[%get3A_161, %get3A_162] : memref<1x8192xf32, #tpu.memory_space<vmem>>, vector<1x128xf32>
    %add3A_164 = vector.broadcast %broadcast_in_dim3A : vector<256x1xf32> to vector<256x128xf32>
    %add3A_165 = vector.broadcast %get3A_163 : vector<1x128xf32> to vector<256x128xf32>
    %add3A_166 = arith.addf %add3A_164, %add3A_165 : vector<256x128xf32>
    %slice3A_167 = vector.extract_strided_slice %dot_general3A_144 {offsets = [0, 128], sizes = [256, 128], strides = [1, 1]} : vector<256x512xf32> to vector<256x128xf32>
    %sub3A_168 = arith.subf %add3A_166, %slice3A_167 : vector<256x128xf32>
    %lt3A_169 = arith.cmpf olt, %sub3A_168, %min3A_154 : vector<256x128xf32>
    %min3A_170 = arith.minimumf %sub3A_168, %min3A_154 : vector<256x128xf32>
    %add3A_171 = arith.constant 1.152000e+03 : f32
    %add3A_172 = vector.broadcast %add3A_171 : f32 to vector<1x128xf32>
    %add3A_173 = arith.addf %convert_element_type3A_7, %add3A_172 : vector<1x128xf32>
    %broadcast_in_dim3A_174 = vector.shape_cast %add3A_173 : vector<1x128xf32> to vector<1x128xf32>
    %broadcast_in_dim3A_175 = vector.broadcast %broadcast_in_dim3A_174 : vector<1x128xf32> to vector<256x128xf32>
    %select_n3A_176 = arith.select %lt3A_169, %broadcast_in_dim3A_175, %select_n3A_160 : vector<256x128xi1>, vector<256x128xf32>
    %get3A_177 = arith.constant 0 : index
    %get3A_178 = arith.constant 1280 : index
    %get3A_179 = vector.load %arg2[%get3A_177, %get3A_178] : memref<1x8192xf32, #tpu.memory_space<vmem>>, vector<1x128xf32>
    %add3A_180 = vector.broadcast %broadcast_in_dim3A : vector<256x1xf32> to vector<256x128xf32>
    %add3A_181 = vector.broadcast %get3A_179 : vector<1x128xf32> to vector<256x128xf32>
    %add3A_182 = arith.addf %add3A_180, %add3A_181 : vector<256x128xf32>
    %slice3A_183 = vector.extract_strided_slice %dot_general3A_144 {offsets = [0, 256], sizes = [256, 128], strides = [1, 1]} : vector<256x512xf32> to vector<256x128xf32>
    %sub3A_184 = arith.subf %add3A_182, %slice3A_183 : vector<256x128xf32>
    %lt3A_185 = arith.cmpf olt, %sub3A_184, %min3A_170 : vector<256x128xf32>
    %min3A_186 = arith.minimumf %sub3A_184, %min3A_170 : vector<256x128xf32>
    %add3A_187 = arith.constant 1.280000e+03 : f32
    %add3A_188 = vector.broadcast %add3A_187 : f32 to vector<1x128xf32>
    %add3A_189 = arith.addf %convert_element_type3A_7, %add3A_188 : vector<1x128xf32>
    %broadcast_in_dim3A_190 = vector.shape_cast %add3A_189 : vector<1x128xf32> to vector<1x128xf32>
    %broadcast_in_dim3A_191 = vector.broadcast %broadcast_in_dim3A_190 : vector<1x128xf32> to vector<256x128xf32>
    %select_n3A_192 = arith.select %lt3A_185, %broadcast_in_dim3A_191, %select_n3A_176 : vector<256x128xi1>, vector<256x128xf32>
    %get3A_193 = arith.constant 0 : index
    %get3A_194 = arith.constant 1408 : index
    %get3A_195 = vector.load %arg2[%get3A_193, %get3A_194] : memref<1x8192xf32, #tpu.memory_space<vmem>>, vector<1x128xf32>
    %add3A_196 = vector.broadcast %broadcast_in_dim3A : vector<256x1xf32> to vector<256x128xf32>
    %add3A_197 = vector.broadcast %get3A_195 : vector<1x128xf32> to vector<256x128xf32>
    %add3A_198 = arith.addf %add3A_196, %add3A_197 : vector<256x128xf32>
    %slice3A_199 = vector.extract_strided_slice %dot_general3A_144 {offsets = [0, 384], sizes = [256, 128], strides = [1, 1]} : vector<256x512xf32> to vector<256x128xf32>
    %sub3A_200 = arith.subf %add3A_198, %slice3A_199 : vector<256x128xf32>
    %lt3A_201 = arith.cmpf olt, %sub3A_200, %min3A_186 : vector<256x128xf32>
    %min3A_202 = arith.minimumf %sub3A_200, %min3A_186 : vector<256x128xf32>
    %add3A_203 = arith.constant 1.408000e+03 : f32
    %add3A_204 = vector.broadcast %add3A_203 : f32 to vector<1x128xf32>
    %add3A_205 = arith.addf %convert_element_type3A_7, %add3A_204 : vector<1x128xf32>
    %broadcast_in_dim3A_206 = vector.shape_cast %add3A_205 : vector<1x128xf32> to vector<1x128xf32>
    %broadcast_in_dim3A_207 = vector.broadcast %broadcast_in_dim3A_206 : vector<1x128xf32> to vector<256x128xf32>
    %select_n3A_208 = arith.select %lt3A_201, %broadcast_in_dim3A_207, %select_n3A_192 : vector<256x128xi1>, vector<256x128xf32>
    %get3A_209 = arith.constant 1536 : index
    %get3A_210 = arith.constant 0 : index
    %get3A_211 = vector.load %arg3[%get3A_209, %get3A_210] : memref<8192x256xbf16, #tpu.memory_space<vmem>>, vector<512x256xbf16>
    %dot_general3A_212 = arith.constant dense<0.000000e+00> : vector<256x512xf32>
    %dot_general3A_213 = tpu.matmul %convert_element_type3A, %get3A_211, %dot_general3A_212 {dimension_numbers = #tpu.dot_dimension_numbers<[1], [1], [0], [0], [0, 0, 1, 0], [], []>, transpose_lhs_hint = false} : vector<256x256xbf16>, vector<512x256xbf16>, vector<256x512xf32> -> vector<256x512xf32>
    %get3A_214 = arith.constant 0 : index
    %get3A_215 = arith.constant 1536 : index
    %get3A_216 = vector.load %arg2[%get3A_214, %get3A_215] : memref<1x8192xf32, #tpu.memory_space<vmem>>, vector<1x128xf32>
    %add3A_217 = vector.broadcast %broadcast_in_dim3A : vector<256x1xf32> to vector<256x128xf32>
    %add3A_218 = vector.broadcast %get3A_216 : vector<1x128xf32> to vector<256x128xf32>
    %add3A_219 = arith.addf %add3A_217, %add3A_218 : vector<256x128xf32>
    %slice3A_220 = vector.extract_strided_slice %dot_general3A_213 {offsets = [0, 0], sizes = [256, 128], strides = [1, 1]} : vector<256x512xf32> to vector<256x128xf32>
    %sub3A_221 = arith.subf %add3A_219, %slice3A_220 : vector<256x128xf32>
    %lt3A_222 = arith.cmpf olt, %sub3A_221, %min3A_202 : vector<256x128xf32>
    %min3A_223 = arith.minimumf %sub3A_221, %min3A_202 : vector<256x128xf32>
    %add3A_224 = arith.constant 1.536000e+03 : f32
    %add3A_225 = vector.broadcast %add3A_224 : f32 to vector<1x128xf32>
    %add3A_226 = arith.addf %convert_element_type3A_7, %add3A_225 : vector<1x128xf32>
    %broadcast_in_dim3A_227 = vector.shape_cast %add3A_226 : vector<1x128xf32> to vector<1x128xf32>
    %broadcast_in_dim3A_228 = vector.broadcast %broadcast_in_dim3A_227 : vector<1x128xf32> to vector<256x128xf32>
    %select_n3A_229 = arith.select %lt3A_222, %broadcast_in_dim3A_228, %select_n3A_208 : vector<256x128xi1>, vector<256x128xf32>
    %get3A_230 = arith.constant 0 : index
    %get3A_231 = arith.constant 1664 : index
    %get3A_232 = vector.load %arg2[%get3A_230, %get3A_231] : memref<1x8192xf32, #tpu.memory_space<vmem>>, vector<1x128xf32>
    %add3A_233 = vector.broadcast %broadcast_in_dim3A : vector<256x1xf32> to vector<256x128xf32>
    %add3A_234 = vector.broadcast %get3A_232 : vector<1x128xf32> to vector<256x128xf32>
    %add3A_235 = arith.addf %add3A_233, %add3A_234 : vector<256x128xf32>
    %slice3A_236 = vector.extract_strided_slice %dot_general3A_213 {offsets = [0, 128], sizes = [256, 128], strides = [1, 1]} : vector<256x512xf32> to vector<256x128xf32>
    %sub3A_237 = arith.subf %add3A_235, %slice3A_236 : vector<256x128xf32>
    %lt3A_238 = arith.cmpf olt, %sub3A_237, %min3A_223 : vector<256x128xf32>
    %min3A_239 = arith.minimumf %sub3A_237, %min3A_223 : vector<256x128xf32>
    %add3A_240 = arith.constant 1.664000e+03 : f32
    %add3A_241 = vector.broadcast %add3A_240 : f32 to vector<1x128xf32>
    %add3A_242 = arith.addf %convert_element_type3A_7, %add3A_241 : vector<1x128xf32>
    %broadcast_in_dim3A_243 = vector.shape_cast %add3A_242 : vector<1x128xf32> to vector<1x128xf32>
    %broadcast_in_dim3A_244 = vector.broadcast %broadcast_in_dim3A_243 : vector<1x128xf32> to vector<256x128xf32>
    %select_n3A_245 = arith.select %lt3A_238, %broadcast_in_dim3A_244, %select_n3A_229 : vector<256x128xi1>, vector<256x128xf32>
    %get3A_246 = arith.constant 0 : index
    %get3A_247 = arith.constant 1792 : index
    %get3A_248 = vector.load %arg2[%get3A_246, %get3A_247] : memref<1x8192xf32, #tpu.memory_space<vmem>>, vector<1x128xf32>
    %add3A_249 = vector.broadcast %broadcast_in_dim3A : vector<256x1xf32> to vector<256x128xf32>
    %add3A_250 = vector.broadcast %get3A_248 : vector<1x128xf32> to vector<256x128xf32>
    %add3A_251 = arith.addf %add3A_249, %add3A_250 : vector<256x128xf32>
    %slice3A_252 = vector.extract_strided_slice %dot_general3A_213 {offsets = [0, 256], sizes = [256, 128], strides = [1, 1]} : vector<256x512xf32> to vector<256x128xf32>
    %sub3A_253 = arith.subf %add3A_251, %slice3A_252 : vector<256x128xf32>
    %lt3A_254 = arith.cmpf olt, %sub3A_253, %min3A_239 : vector<256x128xf32>
    %min3A_255 = arith.minimumf %sub3A_253, %min3A_239 : vector<256x128xf32>
    %add3A_256 = arith.constant 1.792000e+03 : f32
    %add3A_257 = vector.broadcast %add3A_256 : f32 to vector<1x128xf32>
    %add3A_258 = arith.addf %convert_element_type3A_7, %add3A_257 : vector<1x128xf32>
    %broadcast_in_dim3A_259 = vector.shape_cast %add3A_258 : vector<1x128xf32> to vector<1x128xf32>
    %broadcast_in_dim3A_260 = vector.broadcast %broadcast_in_dim3A_259 : vector<1x128xf32> to vector<256x128xf32>
    %select_n3A_261 = arith.select %lt3A_254, %broadcast_in_dim3A_260, %select_n3A_245 : vector<256x128xi1>, vector<256x128xf32>
    %get3A_262 = arith.constant 0 : index
    %get3A_263 = arith.constant 1920 : index
    %get3A_264 = vector.load %arg2[%get3A_262, %get3A_263] : memref<1x8192xf32, #tpu.memory_space<vmem>>, vector<1x128xf32>
    %add3A_265 = vector.broadcast %broadcast_in_dim3A : vector<256x1xf32> to vector<256x128xf32>
    %add3A_266 = vector.broadcast %get3A_264 : vector<1x128xf32> to vector<256x128xf32>
    %add3A_267 = arith.addf %add3A_265, %add3A_266 : vector<256x128xf32>
    %slice3A_268 = vector.extract_strided_slice %dot_general3A_213 {offsets = [0, 384], sizes = [256, 128], strides = [1, 1]} : vector<256x512xf32> to vector<256x128xf32>
    %sub3A_269 = arith.subf %add3A_267, %slice3A_268 : vector<256x128xf32>
    %lt3A_270 = arith.cmpf olt, %sub3A_269, %min3A_255 : vector<256x128xf32>
    %min3A_271 = arith.minimumf %sub3A_269, %min3A_255 : vector<256x128xf32>
    %add3A_272 = arith.constant 1.920000e+03 : f32
    %add3A_273 = vector.broadcast %add3A_272 : f32 to vector<1x128xf32>
    %add3A_274 = arith.addf %convert_element_type3A_7, %add3A_273 : vector<1x128xf32>
    %broadcast_in_dim3A_275 = vector.shape_cast %add3A_274 : vector<1x128xf32> to vector<1x128xf32>
    %broadcast_in_dim3A_276 = vector.broadcast %broadcast_in_dim3A_275 : vector<1x128xf32> to vector<256x128xf32>
    %select_n3A_277 = arith.select %lt3A_270, %broadcast_in_dim3A_276, %select_n3A_261 : vector<256x128xi1>, vector<256x128xf32>
    %get3A_278 = arith.constant 2048 : index
    %get3A_279 = arith.constant 0 : index
    %get3A_280 = vector.load %arg3[%get3A_278, %get3A_279] : memref<8192x256xbf16, #tpu.memory_space<vmem>>, vector<512x256xbf16>
    %dot_general3A_281 = arith.constant dense<0.000000e+00> : vector<256x512xf32>
    %dot_general3A_282 = tpu.matmul %convert_element_type3A, %get3A_280, %dot_general3A_281 {dimension_numbers = #tpu.dot_dimension_numbers<[1], [1], [0], [0], [0, 0, 1, 0], [], []>, transpose_lhs_hint = false} : vector<256x256xbf16>, vector<512x256xbf16>, vector<256x512xf32> -> vector<256x512xf32>
    %get3A_283 = arith.constant 0 : index
    %get3A_284 = arith.constant 2048 : index
    %get3A_285 = vector.load %arg2[%get3A_283, %get3A_284] : memref<1x8192xf32, #tpu.memory_space<vmem>>, vector<1x128xf32>
    %add3A_286 = vector.broadcast %broadcast_in_dim3A : vector<256x1xf32> to vector<256x128xf32>
    %add3A_287 = vector.broadcast %get3A_285 : vector<1x128xf32> to vector<256x128xf32>
    %add3A_288 = arith.addf %add3A_286, %add3A_287 : vector<256x128xf32>
    %slice3A_289 = vector.extract_strided_slice %dot_general3A_282 {offsets = [0, 0], sizes = [256, 128], strides = [1, 1]} : vector<256x512xf32> to vector<256x128xf32>
    %sub3A_290 = arith.subf %add3A_288, %slice3A_289 : vector<256x128xf32>
    %lt3A_291 = arith.cmpf olt, %sub3A_290, %min3A_271 : vector<256x128xf32>
    %min3A_292 = arith.minimumf %sub3A_290, %min3A_271 : vector<256x128xf32>
    %add3A_293 = arith.constant 2.048000e+03 : f32
    %add3A_294 = vector.broadcast %add3A_293 : f32 to vector<1x128xf32>
    %add3A_295 = arith.addf %convert_element_type3A_7, %add3A_294 : vector<1x128xf32>
    %broadcast_in_dim3A_296 = vector.shape_cast %add3A_295 : vector<1x128xf32> to vector<1x128xf32>
    %broadcast_in_dim3A_297 = vector.broadcast %broadcast_in_dim3A_296 : vector<1x128xf32> to vector<256x128xf32>
    %select_n3A_298 = arith.select %lt3A_291, %broadcast_in_dim3A_297, %select_n3A_277 : vector<256x128xi1>, vector<256x128xf32>
    %get3A_299 = arith.constant 0 : index
    %get3A_300 = arith.constant 2176 : index
    %get3A_301 = vector.load %arg2[%get3A_299, %get3A_300] : memref<1x8192xf32, #tpu.memory_space<vmem>>, vector<1x128xf32>
    %add3A_302 = vector.broadcast %broadcast_in_dim3A : vector<256x1xf32> to vector<256x128xf32>
    %add3A_303 = vector.broadcast %get3A_301 : vector<1x128xf32> to vector<256x128xf32>
    %add3A_304 = arith.addf %add3A_302, %add3A_303 : vector<256x128xf32>
    %slice3A_305 = vector.extract_strided_slice %dot_general3A_282 {offsets = [0, 128], sizes = [256, 128], strides = [1, 1]} : vector<256x512xf32> to vector<256x128xf32>
    %sub3A_306 = arith.subf %add3A_304, %slice3A_305 : vector<256x128xf32>
    %lt3A_307 = arith.cmpf olt, %sub3A_306, %min3A_292 : vector<256x128xf32>
    %min3A_308 = arith.minimumf %sub3A_306, %min3A_292 : vector<256x128xf32>
    %add3A_309 = arith.constant 2.176000e+03 : f32
    %add3A_310 = vector.broadcast %add3A_309 : f32 to vector<1x128xf32>
    %add3A_311 = arith.addf %convert_element_type3A_7, %add3A_310 : vector<1x128xf32>
    %broadcast_in_dim3A_312 = vector.shape_cast %add3A_311 : vector<1x128xf32> to vector<1x128xf32>
    %broadcast_in_dim3A_313 = vector.broadcast %broadcast_in_dim3A_312 : vector<1x128xf32> to vector<256x128xf32>
    %select_n3A_314 = arith.select %lt3A_307, %broadcast_in_dim3A_313, %select_n3A_298 : vector<256x128xi1>, vector<256x128xf32>
    %get3A_315 = arith.constant 0 : index
    %get3A_316 = arith.constant 2304 : index
    %get3A_317 = vector.load %arg2[%get3A_315, %get3A_316] : memref<1x8192xf32, #tpu.memory_space<vmem>>, vector<1x128xf32>
    %add3A_318 = vector.broadcast %broadcast_in_dim3A : vector<256x1xf32> to vector<256x128xf32>
    %add3A_319 = vector.broadcast %get3A_317 : vector<1x128xf32> to vector<256x128xf32>
    %add3A_320 = arith.addf %add3A_318, %add3A_319 : vector<256x128xf32>
    %slice3A_321 = vector.extract_strided_slice %dot_general3A_282 {offsets = [0, 256], sizes = [256, 128], strides = [1, 1]} : vector<256x512xf32> to vector<256x128xf32>
    %sub3A_322 = arith.subf %add3A_320, %slice3A_321 : vector<256x128xf32>
    %lt3A_323 = arith.cmpf olt, %sub3A_322, %min3A_308 : vector<256x128xf32>
    %min3A_324 = arith.minimumf %sub3A_322, %min3A_308 : vector<256x128xf32>
    %add3A_325 = arith.constant 2.304000e+03 : f32
    %add3A_326 = vector.broadcast %add3A_325 : f32 to vector<1x128xf32>
    %add3A_327 = arith.addf %convert_element_type3A_7, %add3A_326 : vector<1x128xf32>
    %broadcast_in_dim3A_328 = vector.shape_cast %add3A_327 : vector<1x128xf32> to vector<1x128xf32>
    %broadcast_in_dim3A_329 = vector.broadcast %broadcast_in_dim3A_328 : vector<1x128xf32> to vector<256x128xf32>
    %select_n3A_330 = arith.select %lt3A_323, %broadcast_in_dim3A_329, %select_n3A_314 : vector<256x128xi1>, vector<256x128xf32>
    %get3A_331 = arith.constant 0 : index
    %get3A_332 = arith.constant 2432 : index
    %get3A_333 = vector.load %arg2[%get3A_331, %get3A_332] : memref<1x8192xf32, #tpu.memory_space<vmem>>, vector<1x128xf32>
    %add3A_334 = vector.broadcast %broadcast_in_dim3A : vector<256x1xf32> to vector<256x128xf32>
    %add3A_335 = vector.broadcast %get3A_333 : vector<1x128xf32> to vector<256x128xf32>
    %add3A_336 = arith.addf %add3A_334, %add3A_335 : vector<256x128xf32>
    %slice3A_337 = vector.extract_strided_slice %dot_general3A_282 {offsets = [0, 384], sizes = [256, 128], strides = [1, 1]} : vector<256x512xf32> to vector<256x128xf32>
    %sub3A_338 = arith.subf %add3A_336, %slice3A_337 : vector<256x128xf32>
    %lt3A_339 = arith.cmpf olt, %sub3A_338, %min3A_324 : vector<256x128xf32>
    %min3A_340 = arith.minimumf %sub3A_338, %min3A_324 : vector<256x128xf32>
    %add3A_341 = arith.constant 2.432000e+03 : f32
    %add3A_342 = vector.broadcast %add3A_341 : f32 to vector<1x128xf32>
    %add3A_343 = arith.addf %convert_element_type3A_7, %add3A_342 : vector<1x128xf32>
    %broadcast_in_dim3A_344 = vector.shape_cast %add3A_343 : vector<1x128xf32> to vector<1x128xf32>
    %broadcast_in_dim3A_345 = vector.broadcast %broadcast_in_dim3A_344 : vector<1x128xf32> to vector<256x128xf32>
    %select_n3A_346 = arith.select %lt3A_339, %broadcast_in_dim3A_345, %select_n3A_330 : vector<256x128xi1>, vector<256x128xf32>
    %get3A_347 = arith.constant 2560 : index
    %get3A_348 = arith.constant 0 : index
    %get3A_349 = vector.load %arg3[%get3A_347, %get3A_348] : memref<8192x256xbf16, #tpu.memory_space<vmem>>, vector<512x256xbf16>
    %dot_general3A_350 = arith.constant dense<0.000000e+00> : vector<256x512xf32>
    %dot_general3A_351 = tpu.matmul %convert_element_type3A, %get3A_349, %dot_general3A_350 {dimension_numbers = #tpu.dot_dimension_numbers<[1], [1], [0], [0], [0, 0, 1, 0], [], []>, transpose_lhs_hint = false} : vector<256x256xbf16>, vector<512x256xbf16>, vector<256x512xf32> -> vector<256x512xf32>
    %get3A_352 = arith.constant 0 : index
    %get3A_353 = arith.constant 2560 : index
    %get3A_354 = vector.load %arg2[%get3A_352, %get3A_353] : memref<1x8192xf32, #tpu.memory_space<vmem>>, vector<1x128xf32>
    %add3A_355 = vector.broadcast %broadcast_in_dim3A : vector<256x1xf32> to vector<256x128xf32>
    %add3A_356 = vector.broadcast %get3A_354 : vector<1x128xf32> to vector<256x128xf32>
    %add3A_357 = arith.addf %add3A_355, %add3A_356 : vector<256x128xf32>
    %slice3A_358 = vector.extract_strided_slice %dot_general3A_351 {offsets = [0, 0], sizes = [256, 128], strides = [1, 1]} : vector<256x512xf32> to vector<256x128xf32>
    %sub3A_359 = arith.subf %add3A_357, %slice3A_358 : vector<256x128xf32>
    %lt3A_360 = arith.cmpf olt, %sub3A_359, %min3A_340 : vector<256x128xf32>
    %min3A_361 = arith.minimumf %sub3A_359, %min3A_340 : vector<256x128xf32>
    %add3A_362 = arith.constant 2.560000e+03 : f32
    %add3A_363 = vector.broadcast %add3A_362 : f32 to vector<1x128xf32>
    %add3A_364 = arith.addf %convert_element_type3A_7, %add3A_363 : vector<1x128xf32>
    %broadcast_in_dim3A_365 = vector.shape_cast %add3A_364 : vector<1x128xf32> to vector<1x128xf32>
    %broadcast_in_dim3A_366 = vector.broadcast %broadcast_in_dim3A_365 : vector<1x128xf32> to vector<256x128xf32>
    %select_n3A_367 = arith.select %lt3A_360, %broadcast_in_dim3A_366, %select_n3A_346 : vector<256x128xi1>, vector<256x128xf32>
    %get3A_368 = arith.constant 0 : index
    %get3A_369 = arith.constant 2688 : index
    %get3A_370 = vector.load %arg2[%get3A_368, %get3A_369] : memref<1x8192xf32, #tpu.memory_space<vmem>>, vector<1x128xf32>
    %add3A_371 = vector.broadcast %broadcast_in_dim3A : vector<256x1xf32> to vector<256x128xf32>
    %add3A_372 = vector.broadcast %get3A_370 : vector<1x128xf32> to vector<256x128xf32>
    %add3A_373 = arith.addf %add3A_371, %add3A_372 : vector<256x128xf32>
    %slice3A_374 = vector.extract_strided_slice %dot_general3A_351 {offsets = [0, 128], sizes = [256, 128], strides = [1, 1]} : vector<256x512xf32> to vector<256x128xf32>
    %sub3A_375 = arith.subf %add3A_373, %slice3A_374 : vector<256x128xf32>
    %lt3A_376 = arith.cmpf olt, %sub3A_375, %min3A_361 : vector<256x128xf32>
    %min3A_377 = arith.minimumf %sub3A_375, %min3A_361 : vector<256x128xf32>
    %add3A_378 = arith.constant 2.688000e+03 : f32
    %add3A_379 = vector.broadcast %add3A_378 : f32 to vector<1x128xf32>
    %add3A_380 = arith.addf %convert_element_type3A_7, %add3A_379 : vector<1x128xf32>
    %broadcast_in_dim3A_381 = vector.shape_cast %add3A_380 : vector<1x128xf32> to vector<1x128xf32>
    %broadcast_in_dim3A_382 = vector.broadcast %broadcast_in_dim3A_381 : vector<1x128xf32> to vector<256x128xf32>
    %select_n3A_383 = arith.select %lt3A_376, %broadcast_in_dim3A_382, %select_n3A_367 : vector<256x128xi1>, vector<256x128xf32>
    %get3A_384 = arith.constant 0 : index
    %get3A_385 = arith.constant 2816 : index
    %get3A_386 = vector.load %arg2[%get3A_384, %get3A_385] : memref<1x8192xf32, #tpu.memory_space<vmem>>, vector<1x128xf32>
    %add3A_387 = vector.broadcast %broadcast_in_dim3A : vector<256x1xf32> to vector<256x128xf32>
    %add3A_388 = vector.broadcast %get3A_386 : vector<1x128xf32> to vector<256x128xf32>
    %add3A_389 = arith.addf %add3A_387, %add3A_388 : vector<256x128xf32>
    %slice3A_390 = vector.extract_strided_slice %dot_general3A_351 {offsets = [0, 256], sizes = [256, 128], strides = [1, 1]} : vector<256x512xf32> to vector<256x128xf32>
    %sub3A_391 = arith.subf %add3A_389, %slice3A_390 : vector<256x128xf32>
    %lt3A_392 = arith.cmpf olt, %sub3A_391, %min3A_377 : vector<256x128xf32>
    %min3A_393 = arith.minimumf %sub3A_391, %min3A_377 : vector<256x128xf32>
    %add3A_394 = arith.constant 2.816000e+03 : f32
    %add3A_395 = vector.broadcast %add3A_394 : f32 to vector<1x128xf32>
    %add3A_396 = arith.addf %convert_element_type3A_7, %add3A_395 : vector<1x128xf32>
    %broadcast_in_dim3A_397 = vector.shape_cast %add3A_396 : vector<1x128xf32> to vector<1x128xf32>
    %broadcast_in_dim3A_398 = vector.broadcast %broadcast_in_dim3A_397 : vector<1x128xf32> to vector<256x128xf32>
    %select_n3A_399 = arith.select %lt3A_392, %broadcast_in_dim3A_398, %select_n3A_383 : vector<256x128xi1>, vector<256x128xf32>
    %get3A_400 = arith.constant 0 : index
    %get3A_401 = arith.constant 2944 : index
    %get3A_402 = vector.load %arg2[%get3A_400, %get3A_401] : memref<1x8192xf32, #tpu.memory_space<vmem>>, vector<1x128xf32>
    %add3A_403 = vector.broadcast %broadcast_in_dim3A : vector<256x1xf32> to vector<256x128xf32>
    %add3A_404 = vector.broadcast %get3A_402 : vector<1x128xf32> to vector<256x128xf32>
    %add3A_405 = arith.addf %add3A_403, %add3A_404 : vector<256x128xf32>
    %slice3A_406 = vector.extract_strided_slice %dot_general3A_351 {offsets = [0, 384], sizes = [256, 128], strides = [1, 1]} : vector<256x512xf32> to vector<256x128xf32>
    %sub3A_407 = arith.subf %add3A_405, %slice3A_406 : vector<256x128xf32>
    %lt3A_408 = arith.cmpf olt, %sub3A_407, %min3A_393 : vector<256x128xf32>
    %min3A_409 = arith.minimumf %sub3A_407, %min3A_393 : vector<256x128xf32>
    %add3A_410 = arith.constant 2.944000e+03 : f32
    %add3A_411 = vector.broadcast %add3A_410 : f32 to vector<1x128xf32>
    %add3A_412 = arith.addf %convert_element_type3A_7, %add3A_411 : vector<1x128xf32>
    %broadcast_in_dim3A_413 = vector.shape_cast %add3A_412 : vector<1x128xf32> to vector<1x128xf32>
    %broadcast_in_dim3A_414 = vector.broadcast %broadcast_in_dim3A_413 : vector<1x128xf32> to vector<256x128xf32>
    %select_n3A_415 = arith.select %lt3A_408, %broadcast_in_dim3A_414, %select_n3A_399 : vector<256x128xi1>, vector<256x128xf32>
    %get3A_416 = arith.constant 3072 : index
    %get3A_417 = arith.constant 0 : index
    %get3A_418 = vector.load %arg3[%get3A_416, %get3A_417] : memref<8192x256xbf16, #tpu.memory_space<vmem>>, vector<512x256xbf16>
    %dot_general3A_419 = arith.constant dense<0.000000e+00> : vector<256x512xf32>
    %dot_general3A_420 = tpu.matmul %convert_element_type3A, %get3A_418, %dot_general3A_419 {dimension_numbers = #tpu.dot_dimension_numbers<[1], [1], [0], [0], [0, 0, 1, 0], [], []>, transpose_lhs_hint = false} : vector<256x256xbf16>, vector<512x256xbf16>, vector<256x512xf32> -> vector<256x512xf32>
    %get3A_421 = arith.constant 0 : index
    %get3A_422 = arith.constant 3072 : index
    %get3A_423 = vector.load %arg2[%get3A_421, %get3A_422] : memref<1x8192xf32, #tpu.memory_space<vmem>>, vector<1x128xf32>
    %add3A_424 = vector.broadcast %broadcast_in_dim3A : vector<256x1xf32> to vector<256x128xf32>
    %add3A_425 = vector.broadcast %get3A_423 : vector<1x128xf32> to vector<256x128xf32>
    %add3A_426 = arith.addf %add3A_424, %add3A_425 : vector<256x128xf32>
    %slice3A_427 = vector.extract_strided_slice %dot_general3A_420 {offsets = [0, 0], sizes = [256, 128], strides = [1, 1]} : vector<256x512xf32> to vector<256x128xf32>
    %sub3A_428 = arith.subf %add3A_426, %slice3A_427 : vector<256x128xf32>
    %lt3A_429 = arith.cmpf olt, %sub3A_428, %min3A_409 : vector<256x128xf32>
    %min3A_430 = arith.minimumf %sub3A_428, %min3A_409 : vector<256x128xf32>
    %add3A_431 = arith.constant 3.072000e+03 : f32
    %add3A_432 = vector.broadcast %add3A_431 : f32 to vector<1x128xf32>
    %add3A_433 = arith.addf %convert_element_type3A_7, %add3A_432 : vector<1x128xf32>
    %broadcast_in_dim3A_434 = vector.shape_cast %add3A_433 : vector<1x128xf32> to vector<1x128xf32>
    %broadcast_in_dim3A_435 = vector.broadcast %broadcast_in_dim3A_434 : vector<1x128xf32> to vector<256x128xf32>
    %select_n3A_436 = arith.select %lt3A_429, %broadcast_in_dim3A_435, %select_n3A_415 : vector<256x128xi1>, vector<256x128xf32>
    %get3A_437 = arith.constant 0 : index
    %get3A_438 = arith.constant 3200 : index
    %get3A_439 = vector.load %arg2[%get3A_437, %get3A_438] : memref<1x8192xf32, #tpu.memory_space<vmem>>, vector<1x128xf32>
    %add3A_440 = vector.broadcast %broadcast_in_dim3A : vector<256x1xf32> to vector<256x128xf32>
    %add3A_441 = vector.broadcast %get3A_439 : vector<1x128xf32> to vector<256x128xf32>
    %add3A_442 = arith.addf %add3A_440, %add3A_441 : vector<256x128xf32>
    %slice3A_443 = vector.extract_strided_slice %dot_general3A_420 {offsets = [0, 128], sizes = [256, 128], strides = [1, 1]} : vector<256x512xf32> to vector<256x128xf32>
    %sub3A_444 = arith.subf %add3A_442, %slice3A_443 : vector<256x128xf32>
    %lt3A_445 = arith.cmpf olt, %sub3A_444, %min3A_430 : vector<256x128xf32>
    %min3A_446 = arith.minimumf %sub3A_444, %min3A_430 : vector<256x128xf32>
    %add3A_447 = arith.constant 3.200000e+03 : f32
    %add3A_448 = vector.broadcast %add3A_447 : f32 to vector<1x128xf32>
    %add3A_449 = arith.addf %convert_element_type3A_7, %add3A_448 : vector<1x128xf32>
    %broadcast_in_dim3A_450 = vector.shape_cast %add3A_449 : vector<1x128xf32> to vector<1x128xf32>
    %broadcast_in_dim3A_451 = vector.broadcast %broadcast_in_dim3A_450 : vector<1x128xf32> to vector<256x128xf32>
    %select_n3A_452 = arith.select %lt3A_445, %broadcast_in_dim3A_451, %select_n3A_436 : vector<256x128xi1>, vector<256x128xf32>
    %get3A_453 = arith.constant 0 : index
    %get3A_454 = arith.constant 3328 : index
    %get3A_455 = vector.load %arg2[%get3A_453, %get3A_454] : memref<1x8192xf32, #tpu.memory_space<vmem>>, vector<1x128xf32>
    %add3A_456 = vector.broadcast %broadcast_in_dim3A : vector<256x1xf32> to vector<256x128xf32>
    %add3A_457 = vector.broadcast %get3A_455 : vector<1x128xf32> to vector<256x128xf32>
    %add3A_458 = arith.addf %add3A_456, %add3A_457 : vector<256x128xf32>
    %slice3A_459 = vector.extract_strided_slice %dot_general3A_420 {offsets = [0, 256], sizes = [256, 128], strides = [1, 1]} : vector<256x512xf32> to vector<256x128xf32>
    %sub3A_460 = arith.subf %add3A_458, %slice3A_459 : vector<256x128xf32>
    %lt3A_461 = arith.cmpf olt, %sub3A_460, %min3A_446 : vector<256x128xf32>
    %min3A_462 = arith.minimumf %sub3A_460, %min3A_446 : vector<256x128xf32>
    %add3A_463 = arith.constant 3.328000e+03 : f32
    %add3A_464 = vector.broadcast %add3A_463 : f32 to vector<1x128xf32>
    %add3A_465 = arith.addf %convert_element_type3A_7, %add3A_464 : vector<1x128xf32>
    %broadcast_in_dim3A_466 = vector.shape_cast %add3A_465 : vector<1x128xf32> to vector<1x128xf32>
    %broadcast_in_dim3A_467 = vector.broadcast %broadcast_in_dim3A_466 : vector<1x128xf32> to vector<256x128xf32>
    %select_n3A_468 = arith.select %lt3A_461, %broadcast_in_dim3A_467, %select_n3A_452 : vector<256x128xi1>, vector<256x128xf32>
    %get3A_469 = arith.constant 0 : index
    %get3A_470 = arith.constant 3456 : index
    %get3A_471 = vector.load %arg2[%get3A_469, %get3A_470] : memref<1x8192xf32, #tpu.memory_space<vmem>>, vector<1x128xf32>
    %add3A_472 = vector.broadcast %broadcast_in_dim3A : vector<256x1xf32> to vector<256x128xf32>
    %add3A_473 = vector.broadcast %get3A_471 : vector<1x128xf32> to vector<256x128xf32>
    %add3A_474 = arith.addf %add3A_472, %add3A_473 : vector<256x128xf32>
    %slice3A_475 = vector.extract_strided_slice %dot_general3A_420 {offsets = [0, 384], sizes = [256, 128], strides = [1, 1]} : vector<256x512xf32> to vector<256x128xf32>
    %sub3A_476 = arith.subf %add3A_474, %slice3A_475 : vector<256x128xf32>
    %lt3A_477 = arith.cmpf olt, %sub3A_476, %min3A_462 : vector<256x128xf32>
    %min3A_478 = arith.minimumf %sub3A_476, %min3A_462 : vector<256x128xf32>
    %add3A_479 = arith.constant 3.456000e+03 : f32
    %add3A_480 = vector.broadcast %add3A_479 : f32 to vector<1x128xf32>
    %add3A_481 = arith.addf %convert_element_type3A_7, %add3A_480 : vector<1x128xf32>
    %broadcast_in_dim3A_482 = vector.shape_cast %add3A_481 : vector<1x128xf32> to vector<1x128xf32>
    %broadcast_in_dim3A_483 = vector.broadcast %broadcast_in_dim3A_482 : vector<1x128xf32> to vector<256x128xf32>
    %select_n3A_484 = arith.select %lt3A_477, %broadcast_in_dim3A_483, %select_n3A_468 : vector<256x128xi1>, vector<256x128xf32>
    %get3A_485 = arith.constant 3584 : index
    %get3A_486 = arith.constant 0 : index
    %get3A_487 = vector.load %arg3[%get3A_485, %get3A_486] : memref<8192x256xbf16, #tpu.memory_space<vmem>>, vector<512x256xbf16>
    %dot_general3A_488 = arith.constant dense<0.000000e+00> : vector<256x512xf32>
    %dot_general3A_489 = tpu.matmul %convert_element_type3A, %get3A_487, %dot_general3A_488 {dimension_numbers = #tpu.dot_dimension_numbers<[1], [1], [0], [0], [0, 0, 1, 0], [], []>, transpose_lhs_hint = false} : vector<256x256xbf16>, vector<512x256xbf16>, vector<256x512xf32> -> vector<256x512xf32>
    %get3A_490 = arith.constant 0 : index
    %get3A_491 = arith.constant 3584 : index
    %get3A_492 = vector.load %arg2[%get3A_490, %get3A_491] : memref<1x8192xf32, #tpu.memory_space<vmem>>, vector<1x128xf32>
    %add3A_493 = vector.broadcast %broadcast_in_dim3A : vector<256x1xf32> to vector<256x128xf32>
    %add3A_494 = vector.broadcast %get3A_492 : vector<1x128xf32> to vector<256x128xf32>
    %add3A_495 = arith.addf %add3A_493, %add3A_494 : vector<256x128xf32>
    %slice3A_496 = vector.extract_strided_slice %dot_general3A_489 {offsets = [0, 0], sizes = [256, 128], strides = [1, 1]} : vector<256x512xf32> to vector<256x128xf32>
    %sub3A_497 = arith.subf %add3A_495, %slice3A_496 : vector<256x128xf32>
    %lt3A_498 = arith.cmpf olt, %sub3A_497, %min3A_478 : vector<256x128xf32>
    %min3A_499 = arith.minimumf %sub3A_497, %min3A_478 : vector<256x128xf32>
    %add3A_500 = arith.constant 3.584000e+03 : f32
    %add3A_501 = vector.broadcast %add3A_500 : f32 to vector<1x128xf32>
    %add3A_502 = arith.addf %convert_element_type3A_7, %add3A_501 : vector<1x128xf32>
    %broadcast_in_dim3A_503 = vector.shape_cast %add3A_502 : vector<1x128xf32> to vector<1x128xf32>
    %broadcast_in_dim3A_504 = vector.broadcast %broadcast_in_dim3A_503 : vector<1x128xf32> to vector<256x128xf32>
    %select_n3A_505 = arith.select %lt3A_498, %broadcast_in_dim3A_504, %select_n3A_484 : vector<256x128xi1>, vector<256x128xf32>
    %get3A_506 = arith.constant 0 : index
    %get3A_507 = arith.constant 3712 : index
    %get3A_508 = vector.load %arg2[%get3A_506, %get3A_507] : memref<1x8192xf32, #tpu.memory_space<vmem>>, vector<1x128xf32>
    %add3A_509 = vector.broadcast %broadcast_in_dim3A : vector<256x1xf32> to vector<256x128xf32>
    %add3A_510 = vector.broadcast %get3A_508 : vector<1x128xf32> to vector<256x128xf32>
    %add3A_511 = arith.addf %add3A_509, %add3A_510 : vector<256x128xf32>
    %slice3A_512 = vector.extract_strided_slice %dot_general3A_489 {offsets = [0, 128], sizes = [256, 128], strides = [1, 1]} : vector<256x512xf32> to vector<256x128xf32>
    %sub3A_513 = arith.subf %add3A_511, %slice3A_512 : vector<256x128xf32>
    %lt3A_514 = arith.cmpf olt, %sub3A_513, %min3A_499 : vector<256x128xf32>
    %min3A_515 = arith.minimumf %sub3A_513, %min3A_499 : vector<256x128xf32>
    %add3A_516 = arith.constant 3.712000e+03 : f32
    %add3A_517 = vector.broadcast %add3A_516 : f32 to vector<1x128xf32>
    %add3A_518 = arith.addf %convert_element_type3A_7, %add3A_517 : vector<1x128xf32>
    %broadcast_in_dim3A_519 = vector.shape_cast %add3A_518 : vector<1x128xf32> to vector<1x128xf32>
    %broadcast_in_dim3A_520 = vector.broadcast %broadcast_in_dim3A_519 : vector<1x128xf32> to vector<256x128xf32>
    %select_n3A_521 = arith.select %lt3A_514, %broadcast_in_dim3A_520, %select_n3A_505 : vector<256x128xi1>, vector<256x128xf32>
    %get3A_522 = arith.constant 0 : index
    %get3A_523 = arith.constant 3840 : index
    %get3A_524 = vector.load %arg2[%get3A_522, %get3A_523] : memref<1x8192xf32, #tpu.memory_space<vmem>>, vector<1x128xf32>
    %add3A_525 = vector.broadcast %broadcast_in_dim3A : vector<256x1xf32> to vector<256x128xf32>
    %add3A_526 = vector.broadcast %get3A_524 : vector<1x128xf32> to vector<256x128xf32>
    %add3A_527 = arith.addf %add3A_525, %add3A_526 : vector<256x128xf32>
    %slice3A_528 = vector.extract_strided_slice %dot_general3A_489 {offsets = [0, 256], sizes = [256, 128], strides = [1, 1]} : vector<256x512xf32> to vector<256x128xf32>
    %sub3A_529 = arith.subf %add3A_527, %slice3A_528 : vector<256x128xf32>
    %lt3A_530 = arith.cmpf olt, %sub3A_529, %min3A_515 : vector<256x128xf32>
    %min3A_531 = arith.minimumf %sub3A_529, %min3A_515 : vector<256x128xf32>
    %add3A_532 = arith.constant 3.840000e+03 : f32
    %add3A_533 = vector.broadcast %add3A_532 : f32 to vector<1x128xf32>
    %add3A_534 = arith.addf %convert_element_type3A_7, %add3A_533 : vector<1x128xf32>
    %broadcast_in_dim3A_535 = vector.shape_cast %add3A_534 : vector<1x128xf32> to vector<1x128xf32>
    %broadcast_in_dim3A_536 = vector.broadcast %broadcast_in_dim3A_535 : vector<1x128xf32> to vector<256x128xf32>
    %select_n3A_537 = arith.select %lt3A_530, %broadcast_in_dim3A_536, %select_n3A_521 : vector<256x128xi1>, vector<256x128xf32>
    %get3A_538 = arith.constant 0 : index
    %get3A_539 = arith.constant 3968 : index
    %get3A_540 = vector.load %arg2[%get3A_538, %get3A_539] : memref<1x8192xf32, #tpu.memory_space<vmem>>, vector<1x128xf32>
    %add3A_541 = vector.broadcast %broadcast_in_dim3A : vector<256x1xf32> to vector<256x128xf32>
    %add3A_542 = vector.broadcast %get3A_540 : vector<1x128xf32> to vector<256x128xf32>
    %add3A_543 = arith.addf %add3A_541, %add3A_542 : vector<256x128xf32>
    %slice3A_544 = vector.extract_strided_slice %dot_general3A_489 {offsets = [0, 384], sizes = [256, 128], strides = [1, 1]} : vector<256x512xf32> to vector<256x128xf32>
    %sub3A_545 = arith.subf %add3A_543, %slice3A_544 : vector<256x128xf32>
    %lt3A_546 = arith.cmpf olt, %sub3A_545, %min3A_531 : vector<256x128xf32>
    %min3A_547 = arith.minimumf %sub3A_545, %min3A_531 : vector<256x128xf32>
    %add3A_548 = arith.constant 3.968000e+03 : f32
    %add3A_549 = vector.broadcast %add3A_548 : f32 to vector<1x128xf32>
    %add3A_550 = arith.addf %convert_element_type3A_7, %add3A_549 : vector<1x128xf32>
    %broadcast_in_dim3A_551 = vector.shape_cast %add3A_550 : vector<1x128xf32> to vector<1x128xf32>
    %broadcast_in_dim3A_552 = vector.broadcast %broadcast_in_dim3A_551 : vector<1x128xf32> to vector<256x128xf32>
    %select_n3A_553 = arith.select %lt3A_546, %broadcast_in_dim3A_552, %select_n3A_537 : vector<256x128xi1>, vector<256x128xf32>
    %get3A_554 = arith.constant 4096 : index
    %get3A_555 = arith.constant 0 : index
    %get3A_556 = vector.load %arg3[%get3A_554, %get3A_555] : memref<8192x256xbf16, #tpu.memory_space<vmem>>, vector<512x256xbf16>
    %dot_general3A_557 = arith.constant dense<0.000000e+00> : vector<256x512xf32>
    %dot_general3A_558 = tpu.matmul %convert_element_type3A, %get3A_556, %dot_general3A_557 {dimension_numbers = #tpu.dot_dimension_numbers<[1], [1], [0], [0], [0, 0, 1, 0], [], []>, transpose_lhs_hint = false} : vector<256x256xbf16>, vector<512x256xbf16>, vector<256x512xf32> -> vector<256x512xf32>
    %get3A_559 = arith.constant 0 : index
    %get3A_560 = arith.constant 4096 : index
    %get3A_561 = vector.load %arg2[%get3A_559, %get3A_560] : memref<1x8192xf32, #tpu.memory_space<vmem>>, vector<1x128xf32>
    %add3A_562 = vector.broadcast %broadcast_in_dim3A : vector<256x1xf32> to vector<256x128xf32>
    %add3A_563 = vector.broadcast %get3A_561 : vector<1x128xf32> to vector<256x128xf32>
    %add3A_564 = arith.addf %add3A_562, %add3A_563 : vector<256x128xf32>
    %slice3A_565 = vector.extract_strided_slice %dot_general3A_558 {offsets = [0, 0], sizes = [256, 128], strides = [1, 1]} : vector<256x512xf32> to vector<256x128xf32>
    %sub3A_566 = arith.subf %add3A_564, %slice3A_565 : vector<256x128xf32>
    %lt3A_567 = arith.cmpf olt, %sub3A_566, %min3A_547 : vector<256x128xf32>
    %min3A_568 = arith.minimumf %sub3A_566, %min3A_547 : vector<256x128xf32>
    %add3A_569 = arith.constant 4.096000e+03 : f32
    %add3A_570 = vector.broadcast %add3A_569 : f32 to vector<1x128xf32>
    %add3A_571 = arith.addf %convert_element_type3A_7, %add3A_570 : vector<1x128xf32>
    %broadcast_in_dim3A_572 = vector.shape_cast %add3A_571 : vector<1x128xf32> to vector<1x128xf32>
    %broadcast_in_dim3A_573 = vector.broadcast %broadcast_in_dim3A_572 : vector<1x128xf32> to vector<256x128xf32>
    %select_n3A_574 = arith.select %lt3A_567, %broadcast_in_dim3A_573, %select_n3A_553 : vector<256x128xi1>, vector<256x128xf32>
    %get3A_575 = arith.constant 0 : index
    %get3A_576 = arith.constant 4224 : index
    %get3A_577 = vector.load %arg2[%get3A_575, %get3A_576] : memref<1x8192xf32, #tpu.memory_space<vmem>>, vector<1x128xf32>
    %add3A_578 = vector.broadcast %broadcast_in_dim3A : vector<256x1xf32> to vector<256x128xf32>
    %add3A_579 = vector.broadcast %get3A_577 : vector<1x128xf32> to vector<256x128xf32>
    %add3A_580 = arith.addf %add3A_578, %add3A_579 : vector<256x128xf32>
    %slice3A_581 = vector.extract_strided_slice %dot_general3A_558 {offsets = [0, 128], sizes = [256, 128], strides = [1, 1]} : vector<256x512xf32> to vector<256x128xf32>
    %sub3A_582 = arith.subf %add3A_580, %slice3A_581 : vector<256x128xf32>
    %lt3A_583 = arith.cmpf olt, %sub3A_582, %min3A_568 : vector<256x128xf32>
    %min3A_584 = arith.minimumf %sub3A_582, %min3A_568 : vector<256x128xf32>
    %add3A_585 = arith.constant 4.224000e+03 : f32
    %add3A_586 = vector.broadcast %add3A_585 : f32 to vector<1x128xf32>
    %add3A_587 = arith.addf %convert_element_type3A_7, %add3A_586 : vector<1x128xf32>
    %broadcast_in_dim3A_588 = vector.shape_cast %add3A_587 : vector<1x128xf32> to vector<1x128xf32>
    %broadcast_in_dim3A_589 = vector.broadcast %broadcast_in_dim3A_588 : vector<1x128xf32> to vector<256x128xf32>
    %select_n3A_590 = arith.select %lt3A_583, %broadcast_in_dim3A_589, %select_n3A_574 : vector<256x128xi1>, vector<256x128xf32>
    %get3A_591 = arith.constant 0 : index
    %get3A_592 = arith.constant 4352 : index
    %get3A_593 = vector.load %arg2[%get3A_591, %get3A_592] : memref<1x8192xf32, #tpu.memory_space<vmem>>, vector<1x128xf32>
    %add3A_594 = vector.broadcast %broadcast_in_dim3A : vector<256x1xf32> to vector<256x128xf32>
    %add3A_595 = vector.broadcast %get3A_593 : vector<1x128xf32> to vector<256x128xf32>
    %add3A_596 = arith.addf %add3A_594, %add3A_595 : vector<256x128xf32>
    %slice3A_597 = vector.extract_strided_slice %dot_general3A_558 {offsets = [0, 256], sizes = [256, 128], strides = [1, 1]} : vector<256x512xf32> to vector<256x128xf32>
    %sub3A_598 = arith.subf %add3A_596, %slice3A_597 : vector<256x128xf32>
    %lt3A_599 = arith.cmpf olt, %sub3A_598, %min3A_584 : vector<256x128xf32>
    %min3A_600 = arith.minimumf %sub3A_598, %min3A_584 : vector<256x128xf32>
    %add3A_601 = arith.constant 4.352000e+03 : f32
    %add3A_602 = vector.broadcast %add3A_601 : f32 to vector<1x128xf32>
    %add3A_603 = arith.addf %convert_element_type3A_7, %add3A_602 : vector<1x128xf32>
    %broadcast_in_dim3A_604 = vector.shape_cast %add3A_603 : vector<1x128xf32> to vector<1x128xf32>
    %broadcast_in_dim3A_605 = vector.broadcast %broadcast_in_dim3A_604 : vector<1x128xf32> to vector<256x128xf32>
    %select_n3A_606 = arith.select %lt3A_599, %broadcast_in_dim3A_605, %select_n3A_590 : vector<256x128xi1>, vector<256x128xf32>
    %get3A_607 = arith.constant 0 : index
    %get3A_608 = arith.constant 4480 : index
    %get3A_609 = vector.load %arg2[%get3A_607, %get3A_608] : memref<1x8192xf32, #tpu.memory_space<vmem>>, vector<1x128xf32>
    %add3A_610 = vector.broadcast %broadcast_in_dim3A : vector<256x1xf32> to vector<256x128xf32>
    %add3A_611 = vector.broadcast %get3A_609 : vector<1x128xf32> to vector<256x128xf32>
    %add3A_612 = arith.addf %add3A_610, %add3A_611 : vector<256x128xf32>
    %slice3A_613 = vector.extract_strided_slice %dot_general3A_558 {offsets = [0, 384], sizes = [256, 128], strides = [1, 1]} : vector<256x512xf32> to vector<256x128xf32>
    %sub3A_614 = arith.subf %add3A_612, %slice3A_613 : vector<256x128xf32>
    %lt3A_615 = arith.cmpf olt, %sub3A_614, %min3A_600 : vector<256x128xf32>
    %min3A_616 = arith.minimumf %sub3A_614, %min3A_600 : vector<256x128xf32>
    %add3A_617 = arith.constant 4.480000e+03 : f32
    %add3A_618 = vector.broadcast %add3A_617 : f32 to vector<1x128xf32>
    %add3A_619 = arith.addf %convert_element_type3A_7, %add3A_618 : vector<1x128xf32>
    %broadcast_in_dim3A_620 = vector.shape_cast %add3A_619 : vector<1x128xf32> to vector<1x128xf32>
    %broadcast_in_dim3A_621 = vector.broadcast %broadcast_in_dim3A_620 : vector<1x128xf32> to vector<256x128xf32>
    %select_n3A_622 = arith.select %lt3A_615, %broadcast_in_dim3A_621, %select_n3A_606 : vector<256x128xi1>, vector<256x128xf32>
    %get3A_623 = arith.constant 4608 : index
    %get3A_624 = arith.constant 0 : index
    %get3A_625 = vector.load %arg3[%get3A_623, %get3A_624] : memref<8192x256xbf16, #tpu.memory_space<vmem>>, vector<512x256xbf16>
    %dot_general3A_626 = arith.constant dense<0.000000e+00> : vector<256x512xf32>
    %dot_general3A_627 = tpu.matmul %convert_element_type3A, %get3A_625, %dot_general3A_626 {dimension_numbers = #tpu.dot_dimension_numbers<[1], [1], [0], [0], [0, 0, 1, 0], [], []>, transpose_lhs_hint = false} : vector<256x256xbf16>, vector<512x256xbf16>, vector<256x512xf32> -> vector<256x512xf32>
    %get3A_628 = arith.constant 0 : index
    %get3A_629 = arith.constant 4608 : index
    %get3A_630 = vector.load %arg2[%get3A_628, %get3A_629] : memref<1x8192xf32, #tpu.memory_space<vmem>>, vector<1x128xf32>
    %add3A_631 = vector.broadcast %broadcast_in_dim3A : vector<256x1xf32> to vector<256x128xf32>
    %add3A_632 = vector.broadcast %get3A_630 : vector<1x128xf32> to vector<256x128xf32>
    %add3A_633 = arith.addf %add3A_631, %add3A_632 : vector<256x128xf32>
    %slice3A_634 = vector.extract_strided_slice %dot_general3A_627 {offsets = [0, 0], sizes = [256, 128], strides = [1, 1]} : vector<256x512xf32> to vector<256x128xf32>
    %sub3A_635 = arith.subf %add3A_633, %slice3A_634 : vector<256x128xf32>
    %lt3A_636 = arith.cmpf olt, %sub3A_635, %min3A_616 : vector<256x128xf32>
    %min3A_637 = arith.minimumf %sub3A_635, %min3A_616 : vector<256x128xf32>
    %add3A_638 = arith.constant 4.608000e+03 : f32
    %add3A_639 = vector.broadcast %add3A_638 : f32 to vector<1x128xf32>
    %add3A_640 = arith.addf %convert_element_type3A_7, %add3A_639 : vector<1x128xf32>
    %broadcast_in_dim3A_641 = vector.shape_cast %add3A_640 : vector<1x128xf32> to vector<1x128xf32>
    %broadcast_in_dim3A_642 = vector.broadcast %broadcast_in_dim3A_641 : vector<1x128xf32> to vector<256x128xf32>
    %select_n3A_643 = arith.select %lt3A_636, %broadcast_in_dim3A_642, %select_n3A_622 : vector<256x128xi1>, vector<256x128xf32>
    %get3A_644 = arith.constant 0 : index
    %get3A_645 = arith.constant 4736 : index
    %get3A_646 = vector.load %arg2[%get3A_644, %get3A_645] : memref<1x8192xf32, #tpu.memory_space<vmem>>, vector<1x128xf32>
    %add3A_647 = vector.broadcast %broadcast_in_dim3A : vector<256x1xf32> to vector<256x128xf32>
    %add3A_648 = vector.broadcast %get3A_646 : vector<1x128xf32> to vector<256x128xf32>
    %add3A_649 = arith.addf %add3A_647, %add3A_648 : vector<256x128xf32>
    %slice3A_650 = vector.extract_strided_slice %dot_general3A_627 {offsets = [0, 128], sizes = [256, 128], strides = [1, 1]} : vector<256x512xf32> to vector<256x128xf32>
    %sub3A_651 = arith.subf %add3A_649, %slice3A_650 : vector<256x128xf32>
    %lt3A_652 = arith.cmpf olt, %sub3A_651, %min3A_637 : vector<256x128xf32>
    %min3A_653 = arith.minimumf %sub3A_651, %min3A_637 : vector<256x128xf32>
    %add3A_654 = arith.constant 4.736000e+03 : f32
    %add3A_655 = vector.broadcast %add3A_654 : f32 to vector<1x128xf32>
    %add3A_656 = arith.addf %convert_element_type3A_7, %add3A_655 : vector<1x128xf32>
    %broadcast_in_dim3A_657 = vector.shape_cast %add3A_656 : vector<1x128xf32> to vector<1x128xf32>
    %broadcast_in_dim3A_658 = vector.broadcast %broadcast_in_dim3A_657 : vector<1x128xf32> to vector<256x128xf32>
    %select_n3A_659 = arith.select %lt3A_652, %broadcast_in_dim3A_658, %select_n3A_643 : vector<256x128xi1>, vector<256x128xf32>
    %get3A_660 = arith.constant 0 : index
    %get3A_661 = arith.constant 4864 : index
    %get3A_662 = vector.load %arg2[%get3A_660, %get3A_661] : memref<1x8192xf32, #tpu.memory_space<vmem>>, vector<1x128xf32>
    %add3A_663 = vector.broadcast %broadcast_in_dim3A : vector<256x1xf32> to vector<256x128xf32>
    %add3A_664 = vector.broadcast %get3A_662 : vector<1x128xf32> to vector<256x128xf32>
    %add3A_665 = arith.addf %add3A_663, %add3A_664 : vector<256x128xf32>
    %slice3A_666 = vector.extract_strided_slice %dot_general3A_627 {offsets = [0, 256], sizes = [256, 128], strides = [1, 1]} : vector<256x512xf32> to vector<256x128xf32>
    %sub3A_667 = arith.subf %add3A_665, %slice3A_666 : vector<256x128xf32>
    %lt3A_668 = arith.cmpf olt, %sub3A_667, %min3A_653 : vector<256x128xf32>
    %min3A_669 = arith.minimumf %sub3A_667, %min3A_653 : vector<256x128xf32>
    %add3A_670 = arith.constant 4.864000e+03 : f32
    %add3A_671 = vector.broadcast %add3A_670 : f32 to vector<1x128xf32>
    %add3A_672 = arith.addf %convert_element_type3A_7, %add3A_671 : vector<1x128xf32>
    %broadcast_in_dim3A_673 = vector.shape_cast %add3A_672 : vector<1x128xf32> to vector<1x128xf32>
    %broadcast_in_dim3A_674 = vector.broadcast %broadcast_in_dim3A_673 : vector<1x128xf32> to vector<256x128xf32>
    %select_n3A_675 = arith.select %lt3A_668, %broadcast_in_dim3A_674, %select_n3A_659 : vector<256x128xi1>, vector<256x128xf32>
    %get3A_676 = arith.constant 0 : index
    %get3A_677 = arith.constant 4992 : index
    %get3A_678 = vector.load %arg2[%get3A_676, %get3A_677] : memref<1x8192xf32, #tpu.memory_space<vmem>>, vector<1x128xf32>
    %add3A_679 = vector.broadcast %broadcast_in_dim3A : vector<256x1xf32> to vector<256x128xf32>
    %add3A_680 = vector.broadcast %get3A_678 : vector<1x128xf32> to vector<256x128xf32>
    %add3A_681 = arith.addf %add3A_679, %add3A_680 : vector<256x128xf32>
    %slice3A_682 = vector.extract_strided_slice %dot_general3A_627 {offsets = [0, 384], sizes = [256, 128], strides = [1, 1]} : vector<256x512xf32> to vector<256x128xf32>
    %sub3A_683 = arith.subf %add3A_681, %slice3A_682 : vector<256x128xf32>
    %lt3A_684 = arith.cmpf olt, %sub3A_683, %min3A_669 : vector<256x128xf32>
    %min3A_685 = arith.minimumf %sub3A_683, %min3A_669 : vector<256x128xf32>
    %add3A_686 = arith.constant 4.992000e+03 : f32
    %add3A_687 = vector.broadcast %add3A_686 : f32 to vector<1x128xf32>
    %add3A_688 = arith.addf %convert_element_type3A_7, %add3A_687 : vector<1x128xf32>
    %broadcast_in_dim3A_689 = vector.shape_cast %add3A_688 : vector<1x128xf32> to vector<1x128xf32>
    %broadcast_in_dim3A_690 = vector.broadcast %broadcast_in_dim3A_689 : vector<1x128xf32> to vector<256x128xf32>
    %select_n3A_691 = arith.select %lt3A_684, %broadcast_in_dim3A_690, %select_n3A_675 : vector<256x128xi1>, vector<256x128xf32>
    %get3A_692 = arith.constant 5120 : index
    %get3A_693 = arith.constant 0 : index
    %get3A_694 = vector.load %arg3[%get3A_692, %get3A_693] : memref<8192x256xbf16, #tpu.memory_space<vmem>>, vector<512x256xbf16>
    %dot_general3A_695 = arith.constant dense<0.000000e+00> : vector<256x512xf32>
    %dot_general3A_696 = tpu.matmul %convert_element_type3A, %get3A_694, %dot_general3A_695 {dimension_numbers = #tpu.dot_dimension_numbers<[1], [1], [0], [0], [0, 0, 1, 0], [], []>, transpose_lhs_hint = false} : vector<256x256xbf16>, vector<512x256xbf16>, vector<256x512xf32> -> vector<256x512xf32>
    %get3A_697 = arith.constant 0 : index
    %get3A_698 = arith.constant 5120 : index
    %get3A_699 = vector.load %arg2[%get3A_697, %get3A_698] : memref<1x8192xf32, #tpu.memory_space<vmem>>, vector<1x128xf32>
    %add3A_700 = vector.broadcast %broadcast_in_dim3A : vector<256x1xf32> to vector<256x128xf32>
    %add3A_701 = vector.broadcast %get3A_699 : vector<1x128xf32> to vector<256x128xf32>
    %add3A_702 = arith.addf %add3A_700, %add3A_701 : vector<256x128xf32>
    %slice3A_703 = vector.extract_strided_slice %dot_general3A_696 {offsets = [0, 0], sizes = [256, 128], strides = [1, 1]} : vector<256x512xf32> to vector<256x128xf32>
    %sub3A_704 = arith.subf %add3A_702, %slice3A_703 : vector<256x128xf32>
    %lt3A_705 = arith.cmpf olt, %sub3A_704, %min3A_685 : vector<256x128xf32>
    %min3A_706 = arith.minimumf %sub3A_704, %min3A_685 : vector<256x128xf32>
    %add3A_707 = arith.constant 5.120000e+03 : f32
    %add3A_708 = vector.broadcast %add3A_707 : f32 to vector<1x128xf32>
    %add3A_709 = arith.addf %convert_element_type3A_7, %add3A_708 : vector<1x128xf32>
    %broadcast_in_dim3A_710 = vector.shape_cast %add3A_709 : vector<1x128xf32> to vector<1x128xf32>
    %broadcast_in_dim3A_711 = vector.broadcast %broadcast_in_dim3A_710 : vector<1x128xf32> to vector<256x128xf32>
    %select_n3A_712 = arith.select %lt3A_705, %broadcast_in_dim3A_711, %select_n3A_691 : vector<256x128xi1>, vector<256x128xf32>
    %get3A_713 = arith.constant 0 : index
    %get3A_714 = arith.constant 5248 : index
    %get3A_715 = vector.load %arg2[%get3A_713, %get3A_714] : memref<1x8192xf32, #tpu.memory_space<vmem>>, vector<1x128xf32>
    %add3A_716 = vector.broadcast %broadcast_in_dim3A : vector<256x1xf32> to vector<256x128xf32>
    %add3A_717 = vector.broadcast %get3A_715 : vector<1x128xf32> to vector<256x128xf32>
    %add3A_718 = arith.addf %add3A_716, %add3A_717 : vector<256x128xf32>
    %slice3A_719 = vector.extract_strided_slice %dot_general3A_696 {offsets = [0, 128], sizes = [256, 128], strides = [1, 1]} : vector<256x512xf32> to vector<256x128xf32>
    %sub3A_720 = arith.subf %add3A_718, %slice3A_719 : vector<256x128xf32>
    %lt3A_721 = arith.cmpf olt, %sub3A_720, %min3A_706 : vector<256x128xf32>
    %min3A_722 = arith.minimumf %sub3A_720, %min3A_706 : vector<256x128xf32>
    %add3A_723 = arith.constant 5.248000e+03 : f32
    %add3A_724 = vector.broadcast %add3A_723 : f32 to vector<1x128xf32>
    %add3A_725 = arith.addf %convert_element_type3A_7, %add3A_724 : vector<1x128xf32>
    %broadcast_in_dim3A_726 = vector.shape_cast %add3A_725 : vector<1x128xf32> to vector<1x128xf32>
    %broadcast_in_dim3A_727 = vector.broadcast %broadcast_in_dim3A_726 : vector<1x128xf32> to vector<256x128xf32>
    %select_n3A_728 = arith.select %lt3A_721, %broadcast_in_dim3A_727, %select_n3A_712 : vector<256x128xi1>, vector<256x128xf32>
    %get3A_729 = arith.constant 0 : index
    %get3A_730 = arith.constant 5376 : index
    %get3A_731 = vector.load %arg2[%get3A_729, %get3A_730] : memref<1x8192xf32, #tpu.memory_space<vmem>>, vector<1x128xf32>
    %add3A_732 = vector.broadcast %broadcast_in_dim3A : vector<256x1xf32> to vector<256x128xf32>
    %add3A_733 = vector.broadcast %get3A_731 : vector<1x128xf32> to vector<256x128xf32>
    %add3A_734 = arith.addf %add3A_732, %add3A_733 : vector<256x128xf32>
    %slice3A_735 = vector.extract_strided_slice %dot_general3A_696 {offsets = [0, 256], sizes = [256, 128], strides = [1, 1]} : vector<256x512xf32> to vector<256x128xf32>
    %sub3A_736 = arith.subf %add3A_734, %slice3A_735 : vector<256x128xf32>
    %lt3A_737 = arith.cmpf olt, %sub3A_736, %min3A_722 : vector<256x128xf32>
    %min3A_738 = arith.minimumf %sub3A_736, %min3A_722 : vector<256x128xf32>
    %add3A_739 = arith.constant 5.376000e+03 : f32
    %add3A_740 = vector.broadcast %add3A_739 : f32 to vector<1x128xf32>
    %add3A_741 = arith.addf %convert_element_type3A_7, %add3A_740 : vector<1x128xf32>
    %broadcast_in_dim3A_742 = vector.shape_cast %add3A_741 : vector<1x128xf32> to vector<1x128xf32>
    %broadcast_in_dim3A_743 = vector.broadcast %broadcast_in_dim3A_742 : vector<1x128xf32> to vector<256x128xf32>
    %select_n3A_744 = arith.select %lt3A_737, %broadcast_in_dim3A_743, %select_n3A_728 : vector<256x128xi1>, vector<256x128xf32>
    %get3A_745 = arith.constant 0 : index
    %get3A_746 = arith.constant 5504 : index
    %get3A_747 = vector.load %arg2[%get3A_745, %get3A_746] : memref<1x8192xf32, #tpu.memory_space<vmem>>, vector<1x128xf32>
    %add3A_748 = vector.broadcast %broadcast_in_dim3A : vector<256x1xf32> to vector<256x128xf32>
    %add3A_749 = vector.broadcast %get3A_747 : vector<1x128xf32> to vector<256x128xf32>
    %add3A_750 = arith.addf %add3A_748, %add3A_749 : vector<256x128xf32>
    %slice3A_751 = vector.extract_strided_slice %dot_general3A_696 {offsets = [0, 384], sizes = [256, 128], strides = [1, 1]} : vector<256x512xf32> to vector<256x128xf32>
    %sub3A_752 = arith.subf %add3A_750, %slice3A_751 : vector<256x128xf32>
    %lt3A_753 = arith.cmpf olt, %sub3A_752, %min3A_738 : vector<256x128xf32>
    %min3A_754 = arith.minimumf %sub3A_752, %min3A_738 : vector<256x128xf32>
    %add3A_755 = arith.constant 5.504000e+03 : f32
    %add3A_756 = vector.broadcast %add3A_755 : f32 to vector<1x128xf32>
    %add3A_757 = arith.addf %convert_element_type3A_7, %add3A_756 : vector<1x128xf32>
    %broadcast_in_dim3A_758 = vector.shape_cast %add3A_757 : vector<1x128xf32> to vector<1x128xf32>
    %broadcast_in_dim3A_759 = vector.broadcast %broadcast_in_dim3A_758 : vector<1x128xf32> to vector<256x128xf32>
    %select_n3A_760 = arith.select %lt3A_753, %broadcast_in_dim3A_759, %select_n3A_744 : vector<256x128xi1>, vector<256x128xf32>
    %get3A_761 = arith.constant 5632 : index
    %get3A_762 = arith.constant 0 : index
    %get3A_763 = vector.load %arg3[%get3A_761, %get3A_762] : memref<8192x256xbf16, #tpu.memory_space<vmem>>, vector<512x256xbf16>
    %dot_general3A_764 = arith.constant dense<0.000000e+00> : vector<256x512xf32>
    %dot_general3A_765 = tpu.matmul %convert_element_type3A, %get3A_763, %dot_general3A_764 {dimension_numbers = #tpu.dot_dimension_numbers<[1], [1], [0], [0], [0, 0, 1, 0], [], []>, transpose_lhs_hint = false} : vector<256x256xbf16>, vector<512x256xbf16>, vector<256x512xf32> -> vector<256x512xf32>
    %get3A_766 = arith.constant 0 : index
    %get3A_767 = arith.constant 5632 : index
    %get3A_768 = vector.load %arg2[%get3A_766, %get3A_767] : memref<1x8192xf32, #tpu.memory_space<vmem>>, vector<1x128xf32>
    %add3A_769 = vector.broadcast %broadcast_in_dim3A : vector<256x1xf32> to vector<256x128xf32>
    %add3A_770 = vector.broadcast %get3A_768 : vector<1x128xf32> to vector<256x128xf32>
    %add3A_771 = arith.addf %add3A_769, %add3A_770 : vector<256x128xf32>
    %slice3A_772 = vector.extract_strided_slice %dot_general3A_765 {offsets = [0, 0], sizes = [256, 128], strides = [1, 1]} : vector<256x512xf32> to vector<256x128xf32>
    %sub3A_773 = arith.subf %add3A_771, %slice3A_772 : vector<256x128xf32>
    %lt3A_774 = arith.cmpf olt, %sub3A_773, %min3A_754 : vector<256x128xf32>
    %min3A_775 = arith.minimumf %sub3A_773, %min3A_754 : vector<256x128xf32>
    %add3A_776 = arith.constant 5.632000e+03 : f32
    %add3A_777 = vector.broadcast %add3A_776 : f32 to vector<1x128xf32>
    %add3A_778 = arith.addf %convert_element_type3A_7, %add3A_777 : vector<1x128xf32>
    %broadcast_in_dim3A_779 = vector.shape_cast %add3A_778 : vector<1x128xf32> to vector<1x128xf32>
    %broadcast_in_dim3A_780 = vector.broadcast %broadcast_in_dim3A_779 : vector<1x128xf32> to vector<256x128xf32>
    %select_n3A_781 = arith.select %lt3A_774, %broadcast_in_dim3A_780, %select_n3A_760 : vector<256x128xi1>, vector<256x128xf32>
    %get3A_782 = arith.constant 0 : index
    %get3A_783 = arith.constant 5760 : index
    %get3A_784 = vector.load %arg2[%get3A_782, %get3A_783] : memref<1x8192xf32, #tpu.memory_space<vmem>>, vector<1x128xf32>
    %add3A_785 = vector.broadcast %broadcast_in_dim3A : vector<256x1xf32> to vector<256x128xf32>
    %add3A_786 = vector.broadcast %get3A_784 : vector<1x128xf32> to vector<256x128xf32>
    %add3A_787 = arith.addf %add3A_785, %add3A_786 : vector<256x128xf32>
    %slice3A_788 = vector.extract_strided_slice %dot_general3A_765 {offsets = [0, 128], sizes = [256, 128], strides = [1, 1]} : vector<256x512xf32> to vector<256x128xf32>
    %sub3A_789 = arith.subf %add3A_787, %slice3A_788 : vector<256x128xf32>
    %lt3A_790 = arith.cmpf olt, %sub3A_789, %min3A_775 : vector<256x128xf32>
    %min3A_791 = arith.minimumf %sub3A_789, %min3A_775 : vector<256x128xf32>
    %add3A_792 = arith.constant 5.760000e+03 : f32
    %add3A_793 = vector.broadcast %add3A_792 : f32 to vector<1x128xf32>
    %add3A_794 = arith.addf %convert_element_type3A_7, %add3A_793 : vector<1x128xf32>
    %broadcast_in_dim3A_795 = vector.shape_cast %add3A_794 : vector<1x128xf32> to vector<1x128xf32>
    %broadcast_in_dim3A_796 = vector.broadcast %broadcast_in_dim3A_795 : vector<1x128xf32> to vector<256x128xf32>
    %select_n3A_797 = arith.select %lt3A_790, %broadcast_in_dim3A_796, %select_n3A_781 : vector<256x128xi1>, vector<256x128xf32>
    %get3A_798 = arith.constant 0 : index
    %get3A_799 = arith.constant 5888 : index
    %get3A_800 = vector.load %arg2[%get3A_798, %get3A_799] : memref<1x8192xf32, #tpu.memory_space<vmem>>, vector<1x128xf32>
    %add3A_801 = vector.broadcast %broadcast_in_dim3A : vector<256x1xf32> to vector<256x128xf32>
    %add3A_802 = vector.broadcast %get3A_800 : vector<1x128xf32> to vector<256x128xf32>
    %add3A_803 = arith.addf %add3A_801, %add3A_802 : vector<256x128xf32>
    %slice3A_804 = vector.extract_strided_slice %dot_general3A_765 {offsets = [0, 256], sizes = [256, 128], strides = [1, 1]} : vector<256x512xf32> to vector<256x128xf32>
    %sub3A_805 = arith.subf %add3A_803, %slice3A_804 : vector<256x128xf32>
    %lt3A_806 = arith.cmpf olt, %sub3A_805, %min3A_791 : vector<256x128xf32>
    %min3A_807 = arith.minimumf %sub3A_805, %min3A_791 : vector<256x128xf32>
    %add3A_808 = arith.constant 5.888000e+03 : f32
    %add3A_809 = vector.broadcast %add3A_808 : f32 to vector<1x128xf32>
    %add3A_810 = arith.addf %convert_element_type3A_7, %add3A_809 : vector<1x128xf32>
    %broadcast_in_dim3A_811 = vector.shape_cast %add3A_810 : vector<1x128xf32> to vector<1x128xf32>
    %broadcast_in_dim3A_812 = vector.broadcast %broadcast_in_dim3A_811 : vector<1x128xf32> to vector<256x128xf32>
    %select_n3A_813 = arith.select %lt3A_806, %broadcast_in_dim3A_812, %select_n3A_797 : vector<256x128xi1>, vector<256x128xf32>
    %get3A_814 = arith.constant 0 : index
    %get3A_815 = arith.constant 6016 : index
    %get3A_816 = vector.load %arg2[%get3A_814, %get3A_815] : memref<1x8192xf32, #tpu.memory_space<vmem>>, vector<1x128xf32>
    %add3A_817 = vector.broadcast %broadcast_in_dim3A : vector<256x1xf32> to vector<256x128xf32>
    %add3A_818 = vector.broadcast %get3A_816 : vector<1x128xf32> to vector<256x128xf32>
    %add3A_819 = arith.addf %add3A_817, %add3A_818 : vector<256x128xf32>
    %slice3A_820 = vector.extract_strided_slice %dot_general3A_765 {offsets = [0, 384], sizes = [256, 128], strides = [1, 1]} : vector<256x512xf32> to vector<256x128xf32>
    %sub3A_821 = arith.subf %add3A_819, %slice3A_820 : vector<256x128xf32>
    %lt3A_822 = arith.cmpf olt, %sub3A_821, %min3A_807 : vector<256x128xf32>
    %min3A_823 = arith.minimumf %sub3A_821, %min3A_807 : vector<256x128xf32>
    %add3A_824 = arith.constant 6.016000e+03 : f32
    %add3A_825 = vector.broadcast %add3A_824 : f32 to vector<1x128xf32>
    %add3A_826 = arith.addf %convert_element_type3A_7, %add3A_825 : vector<1x128xf32>
    %broadcast_in_dim3A_827 = vector.shape_cast %add3A_826 : vector<1x128xf32> to vector<1x128xf32>
    %broadcast_in_dim3A_828 = vector.broadcast %broadcast_in_dim3A_827 : vector<1x128xf32> to vector<256x128xf32>
    %select_n3A_829 = arith.select %lt3A_822, %broadcast_in_dim3A_828, %select_n3A_813 : vector<256x128xi1>, vector<256x128xf32>
    %get3A_830 = arith.constant 6144 : index
    %get3A_831 = arith.constant 0 : index
    %get3A_832 = vector.load %arg3[%get3A_830, %get3A_831] : memref<8192x256xbf16, #tpu.memory_space<vmem>>, vector<512x256xbf16>
    %dot_general3A_833 = arith.constant dense<0.000000e+00> : vector<256x512xf32>
    %dot_general3A_834 = tpu.matmul %convert_element_type3A, %get3A_832, %dot_general3A_833 {dimension_numbers = #tpu.dot_dimension_numbers<[1], [1], [0], [0], [0, 0, 1, 0], [], []>, transpose_lhs_hint = false} : vector<256x256xbf16>, vector<512x256xbf16>, vector<256x512xf32> -> vector<256x512xf32>
    %get3A_835 = arith.constant 0 : index
    %get3A_836 = arith.constant 6144 : index
    %get3A_837 = vector.load %arg2[%get3A_835, %get3A_836] : memref<1x8192xf32, #tpu.memory_space<vmem>>, vector<1x128xf32>
    %add3A_838 = vector.broadcast %broadcast_in_dim3A : vector<256x1xf32> to vector<256x128xf32>
    %add3A_839 = vector.broadcast %get3A_837 : vector<1x128xf32> to vector<256x128xf32>
    %add3A_840 = arith.addf %add3A_838, %add3A_839 : vector<256x128xf32>
    %slice3A_841 = vector.extract_strided_slice %dot_general3A_834 {offsets = [0, 0], sizes = [256, 128], strides = [1, 1]} : vector<256x512xf32> to vector<256x128xf32>
    %sub3A_842 = arith.subf %add3A_840, %slice3A_841 : vector<256x128xf32>
    %lt3A_843 = arith.cmpf olt, %sub3A_842, %min3A_823 : vector<256x128xf32>
    %min3A_844 = arith.minimumf %sub3A_842, %min3A_823 : vector<256x128xf32>
    %add3A_845 = arith.constant 6.144000e+03 : f32
    %add3A_846 = vector.broadcast %add3A_845 : f32 to vector<1x128xf32>
    %add3A_847 = arith.addf %convert_element_type3A_7, %add3A_846 : vector<1x128xf32>
    %broadcast_in_dim3A_848 = vector.shape_cast %add3A_847 : vector<1x128xf32> to vector<1x128xf32>
    %broadcast_in_dim3A_849 = vector.broadcast %broadcast_in_dim3A_848 : vector<1x128xf32> to vector<256x128xf32>
    %select_n3A_850 = arith.select %lt3A_843, %broadcast_in_dim3A_849, %select_n3A_829 : vector<256x128xi1>, vector<256x128xf32>
    %get3A_851 = arith.constant 0 : index
    %get3A_852 = arith.constant 6272 : index
    %get3A_853 = vector.load %arg2[%get3A_851, %get3A_852] : memref<1x8192xf32, #tpu.memory_space<vmem>>, vector<1x128xf32>
    %add3A_854 = vector.broadcast %broadcast_in_dim3A : vector<256x1xf32> to vector<256x128xf32>
    %add3A_855 = vector.broadcast %get3A_853 : vector<1x128xf32> to vector<256x128xf32>
    %add3A_856 = arith.addf %add3A_854, %add3A_855 : vector<256x128xf32>
    %slice3A_857 = vector.extract_strided_slice %dot_general3A_834 {offsets = [0, 128], sizes = [256, 128], strides = [1, 1]} : vector<256x512xf32> to vector<256x128xf32>
    %sub3A_858 = arith.subf %add3A_856, %slice3A_857 : vector<256x128xf32>
    %lt3A_859 = arith.cmpf olt, %sub3A_858, %min3A_844 : vector<256x128xf32>
    %min3A_860 = arith.minimumf %sub3A_858, %min3A_844 : vector<256x128xf32>
    %add3A_861 = arith.constant 6.272000e+03 : f32
    %add3A_862 = vector.broadcast %add3A_861 : f32 to vector<1x128xf32>
    %add3A_863 = arith.addf %convert_element_type3A_7, %add3A_862 : vector<1x128xf32>
    %broadcast_in_dim3A_864 = vector.shape_cast %add3A_863 : vector<1x128xf32> to vector<1x128xf32>
    %broadcast_in_dim3A_865 = vector.broadcast %broadcast_in_dim3A_864 : vector<1x128xf32> to vector<256x128xf32>
    %select_n3A_866 = arith.select %lt3A_859, %broadcast_in_dim3A_865, %select_n3A_850 : vector<256x128xi1>, vector<256x128xf32>
    %get3A_867 = arith.constant 0 : index
    %get3A_868 = arith.constant 6400 : index
    %get3A_869 = vector.load %arg2[%get3A_867, %get3A_868] : memref<1x8192xf32, #tpu.memory_space<vmem>>, vector<1x128xf32>
    %add3A_870 = vector.broadcast %broadcast_in_dim3A : vector<256x1xf32> to vector<256x128xf32>
    %add3A_871 = vector.broadcast %get3A_869 : vector<1x128xf32> to vector<256x128xf32>
    %add3A_872 = arith.addf %add3A_870, %add3A_871 : vector<256x128xf32>
    %slice3A_873 = vector.extract_strided_slice %dot_general3A_834 {offsets = [0, 256], sizes = [256, 128], strides = [1, 1]} : vector<256x512xf32> to vector<256x128xf32>
    %sub3A_874 = arith.subf %add3A_872, %slice3A_873 : vector<256x128xf32>
    %lt3A_875 = arith.cmpf olt, %sub3A_874, %min3A_860 : vector<256x128xf32>
    %min3A_876 = arith.minimumf %sub3A_874, %min3A_860 : vector<256x128xf32>
    %add3A_877 = arith.constant 6.400000e+03 : f32
    %add3A_878 = vector.broadcast %add3A_877 : f32 to vector<1x128xf32>
    %add3A_879 = arith.addf %convert_element_type3A_7, %add3A_878 : vector<1x128xf32>
    %broadcast_in_dim3A_880 = vector.shape_cast %add3A_879 : vector<1x128xf32> to vector<1x128xf32>
    %broadcast_in_dim3A_881 = vector.broadcast %broadcast_in_dim3A_880 : vector<1x128xf32> to vector<256x128xf32>
    %select_n3A_882 = arith.select %lt3A_875, %broadcast_in_dim3A_881, %select_n3A_866 : vector<256x128xi1>, vector<256x128xf32>
    %get3A_883 = arith.constant 0 : index
    %get3A_884 = arith.constant 6528 : index
    %get3A_885 = vector.load %arg2[%get3A_883, %get3A_884] : memref<1x8192xf32, #tpu.memory_space<vmem>>, vector<1x128xf32>
    %add3A_886 = vector.broadcast %broadcast_in_dim3A : vector<256x1xf32> to vector<256x128xf32>
    %add3A_887 = vector.broadcast %get3A_885 : vector<1x128xf32> to vector<256x128xf32>
    %add3A_888 = arith.addf %add3A_886, %add3A_887 : vector<256x128xf32>
    %slice3A_889 = vector.extract_strided_slice %dot_general3A_834 {offsets = [0, 384], sizes = [256, 128], strides = [1, 1]} : vector<256x512xf32> to vector<256x128xf32>
    %sub3A_890 = arith.subf %add3A_888, %slice3A_889 : vector<256x128xf32>
    %lt3A_891 = arith.cmpf olt, %sub3A_890, %min3A_876 : vector<256x128xf32>
    %min3A_892 = arith.minimumf %sub3A_890, %min3A_876 : vector<256x128xf32>
    %add3A_893 = arith.constant 6.528000e+03 : f32
    %add3A_894 = vector.broadcast %add3A_893 : f32 to vector<1x128xf32>
    %add3A_895 = arith.addf %convert_element_type3A_7, %add3A_894 : vector<1x128xf32>
    %broadcast_in_dim3A_896 = vector.shape_cast %add3A_895 : vector<1x128xf32> to vector<1x128xf32>
    %broadcast_in_dim3A_897 = vector.broadcast %broadcast_in_dim3A_896 : vector<1x128xf32> to vector<256x128xf32>
    %select_n3A_898 = arith.select %lt3A_891, %broadcast_in_dim3A_897, %select_n3A_882 : vector<256x128xi1>, vector<256x128xf32>
    %get3A_899 = arith.constant 6656 : index
    %get3A_900 = arith.constant 0 : index
    %get3A_901 = vector.load %arg3[%get3A_899, %get3A_900] : memref<8192x256xbf16, #tpu.memory_space<vmem>>, vector<512x256xbf16>
    %dot_general3A_902 = arith.constant dense<0.000000e+00> : vector<256x512xf32>
    %dot_general3A_903 = tpu.matmul %convert_element_type3A, %get3A_901, %dot_general3A_902 {dimension_numbers = #tpu.dot_dimension_numbers<[1], [1], [0], [0], [0, 0, 1, 0], [], []>, transpose_lhs_hint = false} : vector<256x256xbf16>, vector<512x256xbf16>, vector<256x512xf32> -> vector<256x512xf32>
    %get3A_904 = arith.constant 0 : index
    %get3A_905 = arith.constant 6656 : index
    %get3A_906 = vector.load %arg2[%get3A_904, %get3A_905] : memref<1x8192xf32, #tpu.memory_space<vmem>>, vector<1x128xf32>
    %add3A_907 = vector.broadcast %broadcast_in_dim3A : vector<256x1xf32> to vector<256x128xf32>
    %add3A_908 = vector.broadcast %get3A_906 : vector<1x128xf32> to vector<256x128xf32>
    %add3A_909 = arith.addf %add3A_907, %add3A_908 : vector<256x128xf32>
    %slice3A_910 = vector.extract_strided_slice %dot_general3A_903 {offsets = [0, 0], sizes = [256, 128], strides = [1, 1]} : vector<256x512xf32> to vector<256x128xf32>
    %sub3A_911 = arith.subf %add3A_909, %slice3A_910 : vector<256x128xf32>
    %lt3A_912 = arith.cmpf olt, %sub3A_911, %min3A_892 : vector<256x128xf32>
    %min3A_913 = arith.minimumf %sub3A_911, %min3A_892 : vector<256x128xf32>
    %add3A_914 = arith.constant 6.656000e+03 : f32
    %add3A_915 = vector.broadcast %add3A_914 : f32 to vector<1x128xf32>
    %add3A_916 = arith.addf %convert_element_type3A_7, %add3A_915 : vector<1x128xf32>
    %broadcast_in_dim3A_917 = vector.shape_cast %add3A_916 : vector<1x128xf32> to vector<1x128xf32>
    %broadcast_in_dim3A_918 = vector.broadcast %broadcast_in_dim3A_917 : vector<1x128xf32> to vector<256x128xf32>
    %select_n3A_919 = arith.select %lt3A_912, %broadcast_in_dim3A_918, %select_n3A_898 : vector<256x128xi1>, vector<256x128xf32>
    %get3A_920 = arith.constant 0 : index
    %get3A_921 = arith.constant 6784 : index
    %get3A_922 = vector.load %arg2[%get3A_920, %get3A_921] : memref<1x8192xf32, #tpu.memory_space<vmem>>, vector<1x128xf32>
    %add3A_923 = vector.broadcast %broadcast_in_dim3A : vector<256x1xf32> to vector<256x128xf32>
    %add3A_924 = vector.broadcast %get3A_922 : vector<1x128xf32> to vector<256x128xf32>
    %add3A_925 = arith.addf %add3A_923, %add3A_924 : vector<256x128xf32>
    %slice3A_926 = vector.extract_strided_slice %dot_general3A_903 {offsets = [0, 128], sizes = [256, 128], strides = [1, 1]} : vector<256x512xf32> to vector<256x128xf32>
    %sub3A_927 = arith.subf %add3A_925, %slice3A_926 : vector<256x128xf32>
    %lt3A_928 = arith.cmpf olt, %sub3A_927, %min3A_913 : vector<256x128xf32>
    %min3A_929 = arith.minimumf %sub3A_927, %min3A_913 : vector<256x128xf32>
    %add3A_930 = arith.constant 6.784000e+03 : f32
    %add3A_931 = vector.broadcast %add3A_930 : f32 to vector<1x128xf32>
    %add3A_932 = arith.addf %convert_element_type3A_7, %add3A_931 : vector<1x128xf32>
    %broadcast_in_dim3A_933 = vector.shape_cast %add3A_932 : vector<1x128xf32> to vector<1x128xf32>
    %broadcast_in_dim3A_934 = vector.broadcast %broadcast_in_dim3A_933 : vector<1x128xf32> to vector<256x128xf32>
    %select_n3A_935 = arith.select %lt3A_928, %broadcast_in_dim3A_934, %select_n3A_919 : vector<256x128xi1>, vector<256x128xf32>
    %get3A_936 = arith.constant 0 : index
    %get3A_937 = arith.constant 6912 : index
    %get3A_938 = vector.load %arg2[%get3A_936, %get3A_937] : memref<1x8192xf32, #tpu.memory_space<vmem>>, vector<1x128xf32>
    %add3A_939 = vector.broadcast %broadcast_in_dim3A : vector<256x1xf32> to vector<256x128xf32>
    %add3A_940 = vector.broadcast %get3A_938 : vector<1x128xf32> to vector<256x128xf32>
    %add3A_941 = arith.addf %add3A_939, %add3A_940 : vector<256x128xf32>
    %slice3A_942 = vector.extract_strided_slice %dot_general3A_903 {offsets = [0, 256], sizes = [256, 128], strides = [1, 1]} : vector<256x512xf32> to vector<256x128xf32>
    %sub3A_943 = arith.subf %add3A_941, %slice3A_942 : vector<256x128xf32>
    %lt3A_944 = arith.cmpf olt, %sub3A_943, %min3A_929 : vector<256x128xf32>
    %min3A_945 = arith.minimumf %sub3A_943, %min3A_929 : vector<256x128xf32>
    %add3A_946 = arith.constant 6.912000e+03 : f32
    %add3A_947 = vector.broadcast %add3A_946 : f32 to vector<1x128xf32>
    %add3A_948 = arith.addf %convert_element_type3A_7, %add3A_947 : vector<1x128xf32>
    %broadcast_in_dim3A_949 = vector.shape_cast %add3A_948 : vector<1x128xf32> to vector<1x128xf32>
    %broadcast_in_dim3A_950 = vector.broadcast %broadcast_in_dim3A_949 : vector<1x128xf32> to vector<256x128xf32>
    %select_n3A_951 = arith.select %lt3A_944, %broadcast_in_dim3A_950, %select_n3A_935 : vector<256x128xi1>, vector<256x128xf32>
    %get3A_952 = arith.constant 0 : index
    %get3A_953 = arith.constant 7040 : index
    %get3A_954 = vector.load %arg2[%get3A_952, %get3A_953] : memref<1x8192xf32, #tpu.memory_space<vmem>>, vector<1x128xf32>
    %add3A_955 = vector.broadcast %broadcast_in_dim3A : vector<256x1xf32> to vector<256x128xf32>
    %add3A_956 = vector.broadcast %get3A_954 : vector<1x128xf32> to vector<256x128xf32>
    %add3A_957 = arith.addf %add3A_955, %add3A_956 : vector<256x128xf32>
    %slice3A_958 = vector.extract_strided_slice %dot_general3A_903 {offsets = [0, 384], sizes = [256, 128], strides = [1, 1]} : vector<256x512xf32> to vector<256x128xf32>
    %sub3A_959 = arith.subf %add3A_957, %slice3A_958 : vector<256x128xf32>
    %lt3A_960 = arith.cmpf olt, %sub3A_959, %min3A_945 : vector<256x128xf32>
    %min3A_961 = arith.minimumf %sub3A_959, %min3A_945 : vector<256x128xf32>
    %add3A_962 = arith.constant 7.040000e+03 : f32
    %add3A_963 = vector.broadcast %add3A_962 : f32 to vector<1x128xf32>
    %add3A_964 = arith.addf %convert_element_type3A_7, %add3A_963 : vector<1x128xf32>
    %broadcast_in_dim3A_965 = vector.shape_cast %add3A_964 : vector<1x128xf32> to vector<1x128xf32>
    %broadcast_in_dim3A_966 = vector.broadcast %broadcast_in_dim3A_965 : vector<1x128xf32> to vector<256x128xf32>
    %select_n3A_967 = arith.select %lt3A_960, %broadcast_in_dim3A_966, %select_n3A_951 : vector<256x128xi1>, vector<256x128xf32>
    %get3A_968 = arith.constant 7168 : index
    %get3A_969 = arith.constant 0 : index
    %get3A_970 = vector.load %arg3[%get3A_968, %get3A_969] : memref<8192x256xbf16, #tpu.memory_space<vmem>>, vector<512x256xbf16>
    %dot_general3A_971 = arith.constant dense<0.000000e+00> : vector<256x512xf32>
    %dot_general3A_972 = tpu.matmul %convert_element_type3A, %get3A_970, %dot_general3A_971 {dimension_numbers = #tpu.dot_dimension_numbers<[1], [1], [0], [0], [0, 0, 1, 0], [], []>, transpose_lhs_hint = false} : vector<256x256xbf16>, vector<512x256xbf16>, vector<256x512xf32> -> vector<256x512xf32>
    %get3A_973 = arith.constant 0 : index
    %get3A_974 = arith.constant 7168 : index
    %get3A_975 = vector.load %arg2[%get3A_973, %get3A_974] : memref<1x8192xf32, #tpu.memory_space<vmem>>, vector<1x128xf32>
    %add3A_976 = vector.broadcast %broadcast_in_dim3A : vector<256x1xf32> to vector<256x128xf32>
    %add3A_977 = vector.broadcast %get3A_975 : vector<1x128xf32> to vector<256x128xf32>
    %add3A_978 = arith.addf %add3A_976, %add3A_977 : vector<256x128xf32>
    %slice3A_979 = vector.extract_strided_slice %dot_general3A_972 {offsets = [0, 0], sizes = [256, 128], strides = [1, 1]} : vector<256x512xf32> to vector<256x128xf32>
    %sub3A_980 = arith.subf %add3A_978, %slice3A_979 : vector<256x128xf32>
    %lt3A_981 = arith.cmpf olt, %sub3A_980, %min3A_961 : vector<256x128xf32>
    %min3A_982 = arith.minimumf %sub3A_980, %min3A_961 : vector<256x128xf32>
    %add3A_983 = arith.constant 7.168000e+03 : f32
    %add3A_984 = vector.broadcast %add3A_983 : f32 to vector<1x128xf32>
    %add3A_985 = arith.addf %convert_element_type3A_7, %add3A_984 : vector<1x128xf32>
    %broadcast_in_dim3A_986 = vector.shape_cast %add3A_985 : vector<1x128xf32> to vector<1x128xf32>
    %broadcast_in_dim3A_987 = vector.broadcast %broadcast_in_dim3A_986 : vector<1x128xf32> to vector<256x128xf32>
    %select_n3A_988 = arith.select %lt3A_981, %broadcast_in_dim3A_987, %select_n3A_967 : vector<256x128xi1>, vector<256x128xf32>
    %get3A_989 = arith.constant 0 : index
    %get3A_990 = arith.constant 7296 : index
    %get3A_991 = vector.load %arg2[%get3A_989, %get3A_990] : memref<1x8192xf32, #tpu.memory_space<vmem>>, vector<1x128xf32>
    %add3A_992 = vector.broadcast %broadcast_in_dim3A : vector<256x1xf32> to vector<256x128xf32>
    %add3A_993 = vector.broadcast %get3A_991 : vector<1x128xf32> to vector<256x128xf32>
    %add3A_994 = arith.addf %add3A_992, %add3A_993 : vector<256x128xf32>
    %slice3A_995 = vector.extract_strided_slice %dot_general3A_972 {offsets = [0, 128], sizes = [256, 128], strides = [1, 1]} : vector<256x512xf32> to vector<256x128xf32>
    %sub3A_996 = arith.subf %add3A_994, %slice3A_995 : vector<256x128xf32>
    %lt3A_997 = arith.cmpf olt, %sub3A_996, %min3A_982 : vector<256x128xf32>
    %min3A_998 = arith.minimumf %sub3A_996, %min3A_982 : vector<256x128xf32>
    %add3A_999 = arith.constant 7.296000e+03 : f32
    %add3A_1000 = vector.broadcast %add3A_999 : f32 to vector<1x128xf32>
    %add3A_1001 = arith.addf %convert_element_type3A_7, %add3A_1000 : vector<1x128xf32>
    %broadcast_in_dim3A_1002 = vector.shape_cast %add3A_1001 : vector<1x128xf32> to vector<1x128xf32>
    %broadcast_in_dim3A_1003 = vector.broadcast %broadcast_in_dim3A_1002 : vector<1x128xf32> to vector<256x128xf32>
    %select_n3A_1004 = arith.select %lt3A_997, %broadcast_in_dim3A_1003, %select_n3A_988 : vector<256x128xi1>, vector<256x128xf32>
    %get3A_1005 = arith.constant 0 : index
    %get3A_1006 = arith.constant 7424 : index
    %get3A_1007 = vector.load %arg2[%get3A_1005, %get3A_1006] : memref<1x8192xf32, #tpu.memory_space<vmem>>, vector<1x128xf32>
    %add3A_1008 = vector.broadcast %broadcast_in_dim3A : vector<256x1xf32> to vector<256x128xf32>
    %add3A_1009 = vector.broadcast %get3A_1007 : vector<1x128xf32> to vector<256x128xf32>
    %add3A_1010 = arith.addf %add3A_1008, %add3A_1009 : vector<256x128xf32>
    %slice3A_1011 = vector.extract_strided_slice %dot_general3A_972 {offsets = [0, 256], sizes = [256, 128], strides = [1, 1]} : vector<256x512xf32> to vector<256x128xf32>
    %sub3A_1012 = arith.subf %add3A_1010, %slice3A_1011 : vector<256x128xf32>
    %lt3A_1013 = arith.cmpf olt, %sub3A_1012, %min3A_998 : vector<256x128xf32>
    %min3A_1014 = arith.minimumf %sub3A_1012, %min3A_998 : vector<256x128xf32>
    %add3A_1015 = arith.constant 7.424000e+03 : f32
    %add3A_1016 = vector.broadcast %add3A_1015 : f32 to vector<1x128xf32>
    %add3A_1017 = arith.addf %convert_element_type3A_7, %add3A_1016 : vector<1x128xf32>
    %broadcast_in_dim3A_1018 = vector.shape_cast %add3A_1017 : vector<1x128xf32> to vector<1x128xf32>
    %broadcast_in_dim3A_1019 = vector.broadcast %broadcast_in_dim3A_1018 : vector<1x128xf32> to vector<256x128xf32>
    %select_n3A_1020 = arith.select %lt3A_1013, %broadcast_in_dim3A_1019, %select_n3A_1004 : vector<256x128xi1>, vector<256x128xf32>
    %get3A_1021 = arith.constant 0 : index
    %get3A_1022 = arith.constant 7552 : index
    %get3A_1023 = vector.load %arg2[%get3A_1021, %get3A_1022] : memref<1x8192xf32, #tpu.memory_space<vmem>>, vector<1x128xf32>
    %add3A_1024 = vector.broadcast %broadcast_in_dim3A : vector<256x1xf32> to vector<256x128xf32>
    %add3A_1025 = vector.broadcast %get3A_1023 : vector<1x128xf32> to vector<256x128xf32>
    %add3A_1026 = arith.addf %add3A_1024, %add3A_1025 : vector<256x128xf32>
    %slice3A_1027 = vector.extract_strided_slice %dot_general3A_972 {offsets = [0, 384], sizes = [256, 128], strides = [1, 1]} : vector<256x512xf32> to vector<256x128xf32>
    %sub3A_1028 = arith.subf %add3A_1026, %slice3A_1027 : vector<256x128xf32>
    %lt3A_1029 = arith.cmpf olt, %sub3A_1028, %min3A_1014 : vector<256x128xf32>
    %min3A_1030 = arith.minimumf %sub3A_1028, %min3A_1014 : vector<256x128xf32>
    %add3A_1031 = arith.constant 7.552000e+03 : f32
    %add3A_1032 = vector.broadcast %add3A_1031 : f32 to vector<1x128xf32>
    %add3A_1033 = arith.addf %convert_element_type3A_7, %add3A_1032 : vector<1x128xf32>
    %broadcast_in_dim3A_1034 = vector.shape_cast %add3A_1033 : vector<1x128xf32> to vector<1x128xf32>
    %broadcast_in_dim3A_1035 = vector.broadcast %broadcast_in_dim3A_1034 : vector<1x128xf32> to vector<256x128xf32>
    %select_n3A_1036 = arith.select %lt3A_1029, %broadcast_in_dim3A_1035, %select_n3A_1020 : vector<256x128xi1>, vector<256x128xf32>
    %get3A_1037 = arith.constant 7680 : index
    %get3A_1038 = arith.constant 0 : index
    %get3A_1039 = vector.load %arg3[%get3A_1037, %get3A_1038] : memref<8192x256xbf16, #tpu.memory_space<vmem>>, vector<512x256xbf16>
    %dot_general3A_1040 = arith.constant dense<0.000000e+00> : vector<256x512xf32>
    %dot_general3A_1041 = tpu.matmul %convert_element_type3A, %get3A_1039, %dot_general3A_1040 {dimension_numbers = #tpu.dot_dimension_numbers<[1], [1], [0], [0], [0, 0, 1, 0], [], []>, transpose_lhs_hint = false} : vector<256x256xbf16>, vector<512x256xbf16>, vector<256x512xf32> -> vector<256x512xf32>
    %get3A_1042 = arith.constant 0 : index
    %get3A_1043 = arith.constant 7680 : index
    %get3A_1044 = vector.load %arg2[%get3A_1042, %get3A_1043] : memref<1x8192xf32, #tpu.memory_space<vmem>>, vector<1x128xf32>
    %add3A_1045 = vector.broadcast %broadcast_in_dim3A : vector<256x1xf32> to vector<256x128xf32>
    %add3A_1046 = vector.broadcast %get3A_1044 : vector<1x128xf32> to vector<256x128xf32>
    %add3A_1047 = arith.addf %add3A_1045, %add3A_1046 : vector<256x128xf32>
    %slice3A_1048 = vector.extract_strided_slice %dot_general3A_1041 {offsets = [0, 0], sizes = [256, 128], strides = [1, 1]} : vector<256x512xf32> to vector<256x128xf32>
    %sub3A_1049 = arith.subf %add3A_1047, %slice3A_1048 : vector<256x128xf32>
    %lt3A_1050 = arith.cmpf olt, %sub3A_1049, %min3A_1030 : vector<256x128xf32>
    %min3A_1051 = arith.minimumf %sub3A_1049, %min3A_1030 : vector<256x128xf32>
    %add3A_1052 = arith.constant 7.680000e+03 : f32
    %add3A_1053 = vector.broadcast %add3A_1052 : f32 to vector<1x128xf32>
    %add3A_1054 = arith.addf %convert_element_type3A_7, %add3A_1053 : vector<1x128xf32>
    %broadcast_in_dim3A_1055 = vector.shape_cast %add3A_1054 : vector<1x128xf32> to vector<1x128xf32>
    %broadcast_in_dim3A_1056 = vector.broadcast %broadcast_in_dim3A_1055 : vector<1x128xf32> to vector<256x128xf32>
    %select_n3A_1057 = arith.select %lt3A_1050, %broadcast_in_dim3A_1056, %select_n3A_1036 : vector<256x128xi1>, vector<256x128xf32>
    %get3A_1058 = arith.constant 0 : index
    %get3A_1059 = arith.constant 7808 : index
    %get3A_1060 = vector.load %arg2[%get3A_1058, %get3A_1059] : memref<1x8192xf32, #tpu.memory_space<vmem>>, vector<1x128xf32>
    %add3A_1061 = vector.broadcast %broadcast_in_dim3A : vector<256x1xf32> to vector<256x128xf32>
    %add3A_1062 = vector.broadcast %get3A_1060 : vector<1x128xf32> to vector<256x128xf32>
    %add3A_1063 = arith.addf %add3A_1061, %add3A_1062 : vector<256x128xf32>
    %slice3A_1064 = vector.extract_strided_slice %dot_general3A_1041 {offsets = [0, 128], sizes = [256, 128], strides = [1, 1]} : vector<256x512xf32> to vector<256x128xf32>
    %sub3A_1065 = arith.subf %add3A_1063, %slice3A_1064 : vector<256x128xf32>
    %lt3A_1066 = arith.cmpf olt, %sub3A_1065, %min3A_1051 : vector<256x128xf32>
    %min3A_1067 = arith.minimumf %sub3A_1065, %min3A_1051 : vector<256x128xf32>
    %add3A_1068 = arith.constant 7.808000e+03 : f32
    %add3A_1069 = vector.broadcast %add3A_1068 : f32 to vector<1x128xf32>
    %add3A_1070 = arith.addf %convert_element_type3A_7, %add3A_1069 : vector<1x128xf32>
    %broadcast_in_dim3A_1071 = vector.shape_cast %add3A_1070 : vector<1x128xf32> to vector<1x128xf32>
    %broadcast_in_dim3A_1072 = vector.broadcast %broadcast_in_dim3A_1071 : vector<1x128xf32> to vector<256x128xf32>
    %select_n3A_1073 = arith.select %lt3A_1066, %broadcast_in_dim3A_1072, %select_n3A_1057 : vector<256x128xi1>, vector<256x128xf32>
    %get3A_1074 = arith.constant 0 : index
    %get3A_1075 = arith.constant 7936 : index
    %get3A_1076 = vector.load %arg2[%get3A_1074, %get3A_1075] : memref<1x8192xf32, #tpu.memory_space<vmem>>, vector<1x128xf32>
    %add3A_1077 = vector.broadcast %broadcast_in_dim3A : vector<256x1xf32> to vector<256x128xf32>
    %add3A_1078 = vector.broadcast %get3A_1076 : vector<1x128xf32> to vector<256x128xf32>
    %add3A_1079 = arith.addf %add3A_1077, %add3A_1078 : vector<256x128xf32>
    %slice3A_1080 = vector.extract_strided_slice %dot_general3A_1041 {offsets = [0, 256], sizes = [256, 128], strides = [1, 1]} : vector<256x512xf32> to vector<256x128xf32>
    %sub3A_1081 = arith.subf %add3A_1079, %slice3A_1080 : vector<256x128xf32>
    %lt3A_1082 = arith.cmpf olt, %sub3A_1081, %min3A_1067 : vector<256x128xf32>
    %min3A_1083 = arith.minimumf %sub3A_1081, %min3A_1067 : vector<256x128xf32>
    %add3A_1084 = arith.constant 7.936000e+03 : f32
    %add3A_1085 = vector.broadcast %add3A_1084 : f32 to vector<1x128xf32>
    %add3A_1086 = arith.addf %convert_element_type3A_7, %add3A_1085 : vector<1x128xf32>
    %broadcast_in_dim3A_1087 = vector.shape_cast %add3A_1086 : vector<1x128xf32> to vector<1x128xf32>
    %broadcast_in_dim3A_1088 = vector.broadcast %broadcast_in_dim3A_1087 : vector<1x128xf32> to vector<256x128xf32>
    %select_n3A_1089 = arith.select %lt3A_1082, %broadcast_in_dim3A_1088, %select_n3A_1073 : vector<256x128xi1>, vector<256x128xf32>
    %get3A_1090 = arith.constant 0 : index
    %get3A_1091 = arith.constant 8064 : index
    %get3A_1092 = vector.load %arg2[%get3A_1090, %get3A_1091] : memref<1x8192xf32, #tpu.memory_space<vmem>>, vector<1x128xf32>
    %add3A_1093 = vector.broadcast %broadcast_in_dim3A : vector<256x1xf32> to vector<256x128xf32>
    %add3A_1094 = vector.broadcast %get3A_1092 : vector<1x128xf32> to vector<256x128xf32>
    %add3A_1095 = arith.addf %add3A_1093, %add3A_1094 : vector<256x128xf32>
    %slice3A_1096 = vector.extract_strided_slice %dot_general3A_1041 {offsets = [0, 384], sizes = [256, 128], strides = [1, 1]} : vector<256x512xf32> to vector<256x128xf32>
    %sub3A_1097 = arith.subf %add3A_1095, %slice3A_1096 : vector<256x128xf32>
    %lt3A_1098 = arith.cmpf olt, %sub3A_1097, %min3A_1083 : vector<256x128xf32>
    %min3A_1099 = arith.minimumf %sub3A_1097, %min3A_1083 : vector<256x128xf32>
    %add3A_1100 = arith.constant 8.064000e+03 : f32
    %add3A_1101 = vector.broadcast %add3A_1100 : f32 to vector<1x128xf32>
    %add3A_1102 = arith.addf %convert_element_type3A_7, %add3A_1101 : vector<1x128xf32>
    %broadcast_in_dim3A_1103 = vector.shape_cast %add3A_1102 : vector<1x128xf32> to vector<1x128xf32>
    %broadcast_in_dim3A_1104 = vector.broadcast %broadcast_in_dim3A_1103 : vector<1x128xf32> to vector<256x128xf32>
    %select_n3A_1105 = arith.select %lt3A_1098, %broadcast_in_dim3A_1104, %select_n3A_1089 : vector<256x128xi1>, vector<256x128xf32>
    %reduce_min3A = arith.constant dense<0x7F800000> : vector<256xf32>
    %reduce_min3A_1106 = vector.multi_reduction <minimumf>, %min3A_1099, %reduce_min3A [1] : vector<256x128xf32> to vector<256xf32>
    %broadcast_in_dim3A_1107 = vector.shape_cast %reduce_min3A_1106 : vector<256xf32> to vector<256x1xf32>
    %eq3A = vector.broadcast %broadcast_in_dim3A_1107 : vector<256x1xf32> to vector<256x128xf32>
    %eq3A_1108 = arith.cmpf oeq, %min3A_1099, %eq3A : vector<256x128xf32>
    %jit3A = arith.constant 3.000000e+09 : f32
    %broadcast_in_dim3A_1109 = vector.broadcast %jit3A : f32 to vector<256x128xf32>
    %select_n3A_1110 = arith.select %eq3A_1108, %select_n3A_1105, %broadcast_in_dim3A_1109 : vector<256x128xi1>, vector<256x128xf32>
    %reduce_min3A_1111 = arith.constant dense<0x7F800000> : vector<256xf32>
    %reduce_min3A_1112 = vector.multi_reduction <minimumf>, %select_n3A_1110, %reduce_min3A_1111 [1] : vector<256x128xf32> to vector<256xf32>
    %broadcast_in_dim3A_1113 = vector.shape_cast %reduce_min3A_1112 : vector<256xf32> to vector<256x1xf32>
    %convert_element_type3A_1114 = arith.fptosi %broadcast_in_dim3A_1113 : vector<256x1xf32> to vector<256x1xi32>
    %swap3A = arith.constant 0 : index
    %swap3A_1115 = arith.constant 0 : index
    %swap3A_1116 = vector.load %arg4[%swap3A, %swap3A_1115] : memref<256x1xi32, #tpu.memory_space<vmem>>, vector<256x1xi32>
    tpu.vector_store %arg4[%swap3A, %swap3A_1115], %convert_element_type3A_1114 {strides = array<i32>} : memref<256x1xi32, #tpu.memory_space<vmem>>, vector<256x1xi32>,
    return
  }
  func.func @transform_0(%arg0: i32) -> (i32, i32) {
    %c0_i32 = arith.constant 0 : i32
    %c0_i32_0 = arith.constant 0 : i32
    return %arg0, %c0_i32 : i32, i32
  }
  func.func @transform_1(%arg0: i32) -> (i32, i32) {
    %c0_i32 = arith.constant 0 : i32
    %c0_i32_0 = arith.constant 0 : i32
    %c0_i32_1 = arith.constant 0 : i32
    return %c0_i32, %c0_i32_0 : i32, i32
  }
  func.func @transform_2(%arg0: i32) -> (i32, i32) {
    %c0_i32 = arith.constant 0 : i32
    %c0_i32_0 = arith.constant 0 : i32
    %c0_i32_1 = arith.constant 0 : i32
    return %c0_i32, %c0_i32_0 : i32, i32
  }
  func.func @transform_3(%arg0: i32) -> (i32, i32) {
    %c0_i32 = arith.constant 0 : i32
    %c0_i32_0 = arith.constant 0 : i32
    return %arg0, %c0_i32 : i32, i32
  }
}

module attributes {stable_mosaic.version = 14 : i64} {
  func.func @_decoder_body(%arg0: i32, %arg1: memref<512x28xf32, #tpu.memory_space<vmem>>, %arg2: memref<512x256xf32, #tpu.memory_space<vmem>>, %arg3: memref<512x256xf32, #tpu.memory_space<vmem>>, %arg4: memref<256x128xf32, #tpu.memory_space<vmem>>, %arg5: memref<1x128xf32, #tpu.memory_space<vmem>>, %arg6: memref<128x28xf32, #tpu.memory_space<vmem>>, %arg7: memref<1x28xf32, #tpu.memory_space<vmem>>, %arg8: memref<512x28xf32, #tpu.memory_space<vmem>>, %arg9: memref<1x1xf32, #tpu.memory_space<vmem>>, %arg10: memref<1x1xf32, #tpu.memory_space<vmem>>) attributes {dimension_semantics = [#tpu.dimension_semantics<arbitrary>], iteration_bounds = array<i64: 16>, scalar_prefetch = 0 : i64, scratch_operands = 0 : i64, tpu.core_type = #tpu.core_type<tc>, window_params = [{transform_indices = @transform_0, window_bounds = array<i64: 512, 28>}, {transform_indices = @transform_1, window_bounds = array<i64: 512, 256>}, {transform_indices = @transform_2, window_bounds = array<i64: 512, 256>}, {pipeline_mode = #tpu.pipeline_mode<synchronous>, transform_indices = @transform_3, window_bounds = array<i64: 256, 128>}, {pipeline_mode = #tpu.pipeline_mode<synchronous>, transform_indices = @transform_4, window_bounds = array<i64: 1, 128>}, {pipeline_mode = #tpu.pipeline_mode<synchronous>, transform_indices = @transform_5, window_bounds = array<i64: 128, 28>}, {pipeline_mode = #tpu.pipeline_mode<synchronous>, transform_indices = @transform_6, window_bounds = array<i64: 1, 28>}, {transform_indices = @transform_7, window_bounds = array<i64: 512, 28>}, {pipeline_mode = #tpu.pipeline_mode<synchronous>, transform_indices = @transform_8, window_bounds = array<i64: 1, 1>}, {pipeline_mode = #tpu.pipeline_mode<synchronous>, transform_indices = @transform_9, window_bounds = array<i64: 1, 1>}]} {
    %get3A = arith.constant 0 : index
    %get3A_0 = arith.constant 0 : index
    %get3A_1 = vector.load %arg3[%get3A, %get3A_0] : memref<512x256xf32, #tpu.memory_space<vmem>>, vector<512x256xf32>
    %get3A_2 = arith.constant 0 : index
    %get3A_3 = arith.constant 0 : index
    %get3A_4 = vector.load %arg2[%get3A_2, %get3A_3] : memref<512x256xf32, #tpu.memory_space<vmem>>, vector<512x256xf32>
    %get3A_5 = arith.constant 0 : index
    %get3A_6 = arith.constant 0 : index
    %get3A_7 = vector.load %arg1[%get3A_5, %get3A_6] : memref<512x28xf32, #tpu.memory_space<vmem>>, vector<512x28xf32>
    %get3A_8 = arith.constant 0 : index
    %get3A_9 = arith.constant 0 : index
    %get3A_10 = vector.load %arg4[%get3A_8, %get3A_9] : memref<256x128xf32, #tpu.memory_space<vmem>>, vector<256x128xf32>
    %dot_general3A = arith.constant dense<0.000000e+00> : vector<512x128xf32>
    %dot_general3A_11 = tpu.matmul %get3A_1, %get3A_10, %dot_general3A {dimension_numbers = #tpu.dot_dimension_numbers<[1], [0], [0], [1], [0, 0, 1, 1], [], []>, transpose_lhs_hint = false} : vector<512x256xf32>, vector<256x128xf32>, vector<512x128xf32> -> vector<512x128xf32>
    %get3A_12 = arith.constant 0 : index
    %get3A_13 = arith.constant 0 : index
    %get3A_14 = vector.load %arg5[%get3A_12, %get3A_13] : memref<1x128xf32, #tpu.memory_space<vmem>>, vector<1x128xf32>
    %add3A = vector.broadcast %get3A_14 : vector<1x128xf32> to vector<512x128xf32>
    %add3A_15 = arith.addf %dot_general3A_11, %add3A : vector<512x128xf32>
    %max3A = arith.constant 0.000000e+00 : f32
    %max3A_16 = vector.broadcast %max3A : f32 to vector<512x128xf32>
    %max3A_17 = arith.maximumf %add3A_15, %max3A_16 : vector<512x128xf32>
    %get3A_18 = arith.constant 0 : index
    %get3A_19 = arith.constant 0 : index
    %get3A_20 = vector.load %arg6[%get3A_18, %get3A_19] : memref<128x28xf32, #tpu.memory_space<vmem>>, vector<128x28xf32>
    %dot_general3A_21 = arith.constant dense<0.000000e+00> : vector<512x28xf32>
    %dot_general3A_22 = tpu.matmul %max3A_17, %get3A_20, %dot_general3A_21 {dimension_numbers = #tpu.dot_dimension_numbers<[1], [0], [0], [1], [0, 0, 1, 1], [], []>, transpose_lhs_hint = false} : vector<512x128xf32>, vector<128x28xf32>, vector<512x28xf32> -> vector<512x28xf32>
    %get3A_23 = arith.constant 0 : index
    %get3A_24 = arith.constant 0 : index
    %get3A_25 = vector.load %arg7[%get3A_23, %get3A_24] : memref<1x28xf32, #tpu.memory_space<vmem>>, vector<1x28xf32>
    %add3A_26 = vector.broadcast %get3A_25 : vector<1x28xf32> to vector<512x28xf32>
    %add3A_27 = arith.addf %dot_general3A_22, %add3A_26 : vector<512x28xf32>
    %swap3A = arith.constant 0 : index
    %swap3A_28 = arith.constant 0 : index
    %swap3A_29 = vector.load %arg8[%swap3A, %swap3A_28] : memref<512x28xf32, #tpu.memory_space<vmem>>, vector<512x28xf32>
    tpu.vector_store %arg8[%swap3A, %swap3A_28], %add3A_27 {strides = array<i32>} : memref<512x28xf32, #tpu.memory_space<vmem>>, vector<512x28xf32>,
    %sub3A = arith.subf %get3A_4, %get3A_1 : vector<512x256xf32>
    %integer_pow3A = arith.mulf %sub3A, %sub3A : vector<512x256xf32>
    %reduce_sum3A = vector.shape_cast %integer_pow3A : vector<512x256xf32> to vector<1x512x256xf32>
    %reduce_sum3A_30 = arith.constant dense<0.000000e+00> : vector<1xf32>
    %reduce_sum3A_31 = vector.multi_reduction <add>, %reduce_sum3A, %reduce_sum3A_30 [1, 2] : vector<1x512x256xf32> to vector<1xf32>
    %reduce_sum3A_32 = vector.shape_cast %reduce_sum3A_31 : vector<1xf32> to vector<1x1x1xf32>
    %reduce_sum3A_33 = vector.extract %reduce_sum3A_32[0, 0, 0] : f32 from vector<1x1x1xf32>
    %reshape3A = vector.broadcast %reduce_sum3A_33 : f32 to vector<1x1xf32>
    %sub3A_34 = arith.subf %add3A_27, %get3A_7 : vector<512x28xf32>
    %integer_pow3A_35 = arith.mulf %sub3A_34, %sub3A_34 : vector<512x28xf32>
    %reduce_sum3A_36 = vector.shape_cast %integer_pow3A_35 : vector<512x28xf32> to vector<1x512x28xf32>
    %reduce_sum3A_37 = arith.constant dense<0.000000e+00> : vector<1xf32>
    %reduce_sum3A_38 = vector.multi_reduction <add>, %reduce_sum3A_36, %reduce_sum3A_37 [1, 2] : vector<1x512x28xf32> to vector<1xf32>
    %reduce_sum3A_39 = vector.shape_cast %reduce_sum3A_38 : vector<1xf32> to vector<1x1x1xf32>
    %reduce_sum3A_40 = vector.extract %reduce_sum3A_39[0, 0, 0] : f32 from vector<1x1x1xf32>
    %reshape3A_41 = vector.broadcast %reduce_sum3A_40 : f32 to vector<1x1xf32>
    %eq3A = arith.constant 0 : i32
    %eq3A_42 = arith.cmpi eq, %arg0, %eq3A : i32
    %convert_element_type3A = arith.extui %eq3A_42 : i1 to i32
    %cond3A = arith.constant 0 : i32
    %cond3A_43 = arith.cmpi ne, %convert_element_type3A, %cond3A : i32
    scf.if %cond3A_43 {
      %swap3A_48 = arith.constant 0 : index
      %swap3A_49 = arith.constant 0 : index
      %swap3A_50 = vector.load %arg9[%swap3A_48, %swap3A_49] : memref<1x1xf32, #tpu.memory_space<vmem>>, vector<1x1xf32>
      tpu.vector_store %arg9[%swap3A_48, %swap3A_49], %reshape3A {strides = array<i32>} : memref<1x1xf32, #tpu.memory_space<vmem>>, vector<1x1xf32>,
      %swap3A_51 = arith.constant 0 : index
      %swap3A_52 = arith.constant 0 : index
      %swap3A_53 = vector.load %arg10[%swap3A_51, %swap3A_52] : memref<1x1xf32, #tpu.memory_space<vmem>>, vector<1x1xf32>
      tpu.vector_store %arg10[%swap3A_51, %swap3A_52], %reshape3A_41 {strides = array<i32>} : memref<1x1xf32, #tpu.memory_space<vmem>>, vector<1x1xf32>,
    } else {
    }
    %gt3A = arith.constant 0 : i32
    %gt3A_44 = arith.cmpi sgt, %arg0, %gt3A : i32
    %convert_element_type3A_45 = arith.extui %gt3A_44 : i1 to i32
    %cond3A_46 = arith.constant 0 : i32
    %cond3A_47 = arith.cmpi ne, %convert_element_type3A_45, %cond3A_46 : i32
    scf.if %cond3A_47 {
      %get3A_48 = arith.constant 0 : index
      %get3A_49 = arith.constant 0 : index
      %get3A_50 = vector.load %arg9[%get3A_48, %get3A_49] : memref<1x1xf32, #tpu.memory_space<vmem>>, vector<1x1xf32>
      %add3A_51 = arith.addf %get3A_50, %reshape3A : vector<1x1xf32>
      %swap3A_52 = arith.constant 0 : index
      %swap3A_53 = arith.constant 0 : index
      %swap3A_54 = vector.load %arg9[%swap3A_52, %swap3A_53] : memref<1x1xf32, #tpu.memory_space<vmem>>, vector<1x1xf32>
      tpu.vector_store %arg9[%swap3A_52, %swap3A_53], %add3A_51 {strides = array<i32>} : memref<1x1xf32, #tpu.memory_space<vmem>>, vector<1x1xf32>,
      %get3A_55 = arith.constant 0 : index
      %get3A_56 = arith.constant 0 : index
      %get3A_57 = vector.load %arg10[%get3A_55, %get3A_56] : memref<1x1xf32, #tpu.memory_space<vmem>>, vector<1x1xf32>
      %add3A_58 = arith.addf %get3A_57, %reshape3A_41 : vector<1x1xf32>
      %swap3A_59 = arith.constant 0 : index
      %swap3A_60 = arith.constant 0 : index
      %swap3A_61 = vector.load %arg10[%swap3A_59, %swap3A_60] : memref<1x1xf32, #tpu.memory_space<vmem>>, vector<1x1xf32>
      tpu.vector_store %arg10[%swap3A_59, %swap3A_60], %add3A_58 {strides = array<i32>} : memref<1x1xf32, #tpu.memory_space<vmem>>, vector<1x1xf32>,
    } else {
    }
    return
  }
  func.func @transform_0(%arg0: i32) -> (i32, i32) {
    %c0_i32 = arith.constant 0 : i32
    %c0_i32_0 = arith.constant 0 : i32
    return %arg0, %c0_i32 : i32, i32
  }
  func.func @transform_1(%arg0: i32) -> (i32, i32) {
    %c0_i32 = arith.constant 0 : i32
    %c0_i32_0 = arith.constant 0 : i32
    return %arg0, %c0_i32 : i32, i32
  }
  func.func @transform_2(%arg0: i32) -> (i32, i32) {
    %c0_i32 = arith.constant 0 : i32
    %c0_i32_0 = arith.constant 0 : i32
    return %arg0, %c0_i32 : i32, i32
  }
  func.func @transform_3(%arg0: i32) -> (i32, i32) {
    %c0_i32 = arith.constant 0 : i32
    %c0_i32_0 = arith.constant 0 : i32
    %c0_i32_1 = arith.constant 0 : i32
    return %c0_i32, %c0_i32_0 : i32, i32
  }
  func.func @transform_4(%arg0: i32) -> (i32, i32) {
    %c0_i32 = arith.constant 0 : i32
    %c0_i32_0 = arith.constant 0 : i32
    %c0_i32_1 = arith.constant 0 : i32
    return %c0_i32, %c0_i32_0 : i32, i32
  }
  func.func @transform_5(%arg0: i32) -> (i32, i32) {
    %c0_i32 = arith.constant 0 : i32
    %c0_i32_0 = arith.constant 0 : i32
    %c0_i32_1 = arith.constant 0 : i32
    return %c0_i32, %c0_i32_0 : i32, i32
  }
  func.func @transform_6(%arg0: i32) -> (i32, i32) {
    %c0_i32 = arith.constant 0 : i32
    %c0_i32_0 = arith.constant 0 : i32
    %c0_i32_1 = arith.constant 0 : i32
    return %c0_i32, %c0_i32_0 : i32, i32
  }
  func.func @transform_7(%arg0: i32) -> (i32, i32) {
    %c0_i32 = arith.constant 0 : i32
    %c0_i32_0 = arith.constant 0 : i32
    return %arg0, %c0_i32 : i32, i32
  }
  func.func @transform_8(%arg0: i32) -> (i32, i32) {
    %c0_i32 = arith.constant 0 : i32
    %c0_i32_0 = arith.constant 0 : i32
    %c0_i32_1 = arith.constant 0 : i32
    return %c0_i32, %c0_i32_0 : i32, i32
  }
  func.func @transform_9(%arg0: i32) -> (i32, i32) {
    %c0_i32 = arith.constant 0 : i32
    %c0_i32_0 = arith.constant 0 : i32
    %c0_i32_1 = arith.constant 0 : i32
    return %c0_i32, %c0_i32_0 : i32, i32
  }
}

</mosaic_0001>

<sc_bundles>
// kernel: kernel.5.cloned.1.call-start
scs
__scs_entry_jumppad:
0x0: {  	(pc) =	sbr.rel $0x88, $3  }
0x1: {  	(tag) =	ssettag $0x0;
	lr =	simm.s32 $0x1  }
0x2: {  	[smem:$0x3F97] =	sst lr;
	_ =	strace $0xD0000000  }
0x3: {  	_ = 	snop  }
0x4: {  	_ = 	snop  }
0x5: {  	_ = 	snop  }
0x6: {  	_ = 	snop  }
0x7: {  	_ = 	snop  }
__scs_overlays_trampoline_lowered:
0x8: {  	[smem:$0x3FA6] =	sst s0  }
0x9: {  	[smem:$0x3FA7] =	sst s1  }
0xa: {  	[smem:$0x3FA8] =	sst s2  }
0xb: {  	[smem:$0x3FA9] =	sst s3  }
0xc: {  	[smem:$0x3FAA] =	sst s4  }
0xd: {  	[smem:$0x3FAB] =	sst s5  }
0xe: {  	[smem:$0x3FAC] =	sst s6  }
0xf: {  	[smem:$0x3FAD] =	sst s7  }
0x10: {  	[smem:$0x3FAE] =	sst s8  }
0x11: {  	[smem:$0x3FAF] =	sst s9;
	s0 =	simm.s32 @!p0 $0x0  }
0x12: {  	s1 =	sld [smem:$0x3F95];
	s0 =	simm.s32 @p0 $0x1  }
0x13: {  	[smem:$0x3FB0] =	sst s0;
	s0 =	simm.s32 @!p1 $0x0  }
0x14: {  	s2 =	sld [smem:$0x3F94];
	s0 =	simm.s32 @p1 $0x1  }
0x15: {  	[smem:$0x3FB1] =	sst s0;
	s0 =	simm.s32 @!p2 $0x0  }
0x16: {  	s3 =	sld [smem:$0x3FDB];
	s0 =	simm.s32 @p2 $0x1  }
0x17: {  	s4 =	simm.s32 $0x1BF5;
	[smem:$0x3FB3] =	sst s0  }
0x18: {  	s0 =	sld [smem:$0x3F96];
	_ =	swait.ge [sflag:s4], $0x0  }
0x19: {  	s7 =	sld [smem:$0x3F97]  }
0x1a: {  	s8 =	sadd.s32 $0xFFFFE003, lr  }
0x1b: {  	s9 =	sadd.s32 $0xFFFFFEF7, lr;
	s5 =	simm.s32 $0xFFFFFFFF;
	p2 =	slt.u32 s8, $0xFFFFF086  }
0x1c: {  	p1 =	slt.u32 s9, $0xF7A;
	s5 =	simm.s32 @!p2 $0x0  }
0x1d: {  	s5 =	simm.s32 @p1 $0x1;
	p0 =	seq.s32 s7, s2  }
0x1e: {  	s7 =	smul.u32 @!p0 $0xF7A, s2;
	p2 =	seq.s32 @!p0 s5, $0x0  }
0x1f: {  	s9 =	smul.u32 $0xF7A, s1;
	s8 =	simm.s32 @!p0 $0x1BF5;
	p2 =	por !p2, p0  }
0x20: {  	[sflag:s8] =	ssyncset.s32 @!p0 $0xFFFFF086;
	s6 =	sadd.s32 @!p0 s3, s7;
	s7 =	simm.s32 @!p0 $0x108  }
0x21: {  	s3 =	sadd.s32 s3, s9;
	s6 =	sadd.s32 @!p0 $0x88, s6;
	s7 =	simm.s32 @p2 $0x1082  }
0x22: {  	[simem:s7], [sflag:s8] =	dma.local @!p0 [hbm:s6], $0xF7A  }
0x23: {  	s9 =	sor.u32 $0xD0000000, s2;
	s6 =	simm.s32 $0x108;
	_ =	swait.ge @!p0 [sflag:s8], $0x0  }
0x24: {  	s3 =	sadd.s32 $0x88, s3;
	s6 =	simm.s32 @!p1 $0x1082;
	[sflag:s4] =	ssyncset.s32 $0xFFFFF086  }
0x25: {  	[simem:s6], [sflag:s4] =	dma.local [hbm:s3], $0xF7A  }
0x26: {  	[smem:$0x3F97] =	sst s1;
	(tag) =	ssettag s2;
	_ =	strace s9  }
0x27: {  	s1 =	sld [smem:$0x3FA7]  }
0x28: {  	s2 =	sld [smem:$0x3FA8]  }
0x29: {  	s4 =	sld [smem:$0x3FAA]  }
0x2a: {  	p0 =	seq.s32 s5, $0x0;
	s5 =	sld [smem:$0x3FAB]  }
0x2b: {  	s6 =	sld [smem:$0x3FAC]  }
0x2c: {  	s7 =	sld [smem:$0x3FAD]  }
0x2d: {  	s3 =	simm.s32 $0x108;
	s8 =	sld [smem:$0x3FAE]  }
0x2e: {  	s3 =	simm.s32 @!p0 $0x1082;
	s9 =	sld [smem:$0x3FAF]  }
0x2f: {  	lr =	sadd.s32 s0, s3;
	s0 =	sld [smem:$0x3FA6]  }
0x30: {  	s3 =	sld [smem:$0x3FA9]  }
0x31: {  	[smem:$0x3FB2] =	sst s10  }
0x32: {  	s10 =	sld [smem:$0x3FB0];
	_ =	sdelay $0x3  }
0x33: {  	p0 =	seq.s32 s10, $0x1;
	s10 =	sld [smem:$0x3FB2];
	_ =	sdelay $0x3  }
0x34: {  	[smem:$0x3FB2] =	sst s10  }
0x35: {  	s10 =	sld [smem:$0x3FB1];
	_ =	sdelay $0x3  }
0x36: {  	p1 =	seq.s32 s10, $0x1;
	s10 =	sld [smem:$0x3FB2];
	_ =	sdelay $0x3  }
0x37: {  	[smem:$0x3FB2] =	sst s10  }
0x38: {  	s10 =	sld [smem:$0x3FB3]  }
0x39: {  	_ = 	snop;
	(pc) =	sbr.ind lr, $3  }
0x3a: {  	_ = 	snop  }
0x3b: {  	_ = 	snop  }
0x3c: {  	p2 =	seq.s32 s10, $0x1;
	s10 =	sld [smem:$0x3FB2]  }
0x3d: {  	_ =	shalt  }
0x3e: {  	_ =	shalt  }
0x3f: {  	_ =	shalt  }
0x40: {  	_ =	shalt  }
0x41: {  	_ =	shalt  }
0x42: {  	_ =	shalt  }
0x43: {  	_ =	shalt  }
0x44: {  	_ =	shalt  }
0x45: {  	_ =	shalt  }
0x46: {  	_ =	shalt  }
0x47: {  	_ =	shalt  }
0x48: {  	_ =	shalt  }
0x49: {  	_ =	shalt  }
0x4a: {  	_ =	shalt  }
0x4b: {  	_ =	shalt  }
0x4c: {  	_ =	shalt  }
0x4d: {  	_ =	shalt  }
0x4e: {  	_ =	shalt  }
0x4f: {  	_ =	shalt  }
0x50: {  	_ =	shalt  }
0x51: {  	_ =	shalt  }
0x52: {  	_ =	shalt  }
0x53: {  	_ =	shalt  }
0x54: {  	_ =	shalt  }
0x55: {  	_ =	shalt  }
0x56: {  	_ =	shalt  }
0x57: {  	_ =	shalt  }
0x58: {  	_ =	shalt  }
0x59: {  	_ =	shalt  }
0x5a: {  	_ =	shalt  }
0x5b: {  	_ =	shalt  }
0x5c: {  	_ =	shalt  }
0x5d: {  	_ =	shalt  }
0x5e: {  	_ =	shalt  }
0x5f: {  	_ =	shalt  }
0x60: {  	_ =	shalt  }
0x61: {  	_ =	shalt  }
0x62: {  	_ =	shalt  }
0x63: {  	_ =	shalt  }
0x64: {  	_ =	shalt  }
0x65: {  	_ =	shalt  }
0x66: {  	_ =	shalt  }
0x67: {  	_ =	shalt  }
0x68: {  	_ =	shalt  }
0x69: {  	_ =	shalt  }
0x6a: {  	_ =	shalt  }
0x6b: {  	_ =	shalt  }
0x6c: {  	_ =	shalt  }
0x6d: {  	_ =	shalt  }
0x6e: {  	_ =	shalt  }
0x6f: {  	_ =	shalt  }
0x70: {  	_ =	shalt  }
0x71: {  	_ =	shalt  }
0x72: {  	_ =	shalt  }
0x73: {  	_ =	shalt  }
0x74: {  	_ =	shalt  }
0x75: {  	_ =	shalt  }
0x76: {  	_ =	shalt  }
0x77: {  	_ =	shalt  }
0x78: {  	_ =	shalt  }
0x79: {  	_ =	shalt  }
0x7a: {  	_ =	shalt  }
0x7b: {  	_ =	shalt  }
0x7c: {  	_ =	shalt  }
0x7d: {  	_ =	shalt  }
0x7e: {  	_ =	shalt  }
0x7f: {  	_ =	shalt  }
0x80: {  	_ =	shalt  }
0x81: {  	_ =	shalt  }
0x82: {  	_ =	shalt  }
0x83: {  	_ =	shalt  }
0x84: {  	_ =	shalt  }
0x85: {  	_ =	shalt  }
0x86: {  	_ =	shalt  }
0x87: {  	_ =	shalt  }
.Lfunc_end0:
.L_simem_size_0:
called_computation_lowered:
.L_overlay_start_0:
0x88: {  	s2 =	sld [smem:$0x3FD9]  }
0x89: {  	s3 =	sld [smem:$0x3FFE];
	_ =	sdelay $0x1  }
0x8a: {  	s1 =	srdreg.scid  }
0x8b: {  	s0 =	sand.u32 $0x1, s1  }
0x8c: {  	s14 =	sshll.u32 s0, $0xA;
	s2 =	sadd.s32 s3, s2  }
0x8d: {  	s2 =	sadd.s32 s2, s14  }
0x8e: {  	[smem:$0x3FBE] =	sst s2  }
0x8f: {  	_ = 	snop  }
0x90: {  	s2 =	sld [smem:$0x3FD0];
	_ =	sdelay $0x2  }
0x91: {  	s4 =	simm.s32 $0xA;
	s5 =	simm.s32 $0x10;
	s15 =	sld [smem:$0x3FC4]  }
0x92: {  	[smem:s5], [sflag:s4] =	dma.local [hbm:s2], $0x1  }
0x93: {  	_ =	swait.eq [sflag:s4], $0x1  }
0x94: {  	[sflag:s4] =	ssyncset.done $0x0  }
0x95: {  	[sflag:s4] =	ssyncadd.s32 $0xFFFFFFFF  }
0x96: {  	s16 =	sld [smem:$0x10];
	(tm) =	ssettm $0x1  }
0x97: {  	s17 =	sld [smem:$0x3FFB];
	_ =	sdelay $0x3  }
0x98: {  	_ =	strace s17  }
0x99: {  	s4 =	sld [smem:$0x3FFC];
	_ =	sdelay $0x3  }
0x9a: {  	_ =	strace s4  }
0x9b: {  	s4 =	sld [smem:$0x3FFD];
	_ =	sdelay $0x3  }
0x9c: {  	_ =	strace s4  }
0x9d: {  	_ =	strace $0x8FFFFFFF  }
0x9e: {  	s18 =	sld [smem:$0x3FDB];
	_ =	sdelay $0x1  }
0x9f: {  	s19 =	simm.s32 $_scs_section_size  }
0xa0: {  	s6 =	simm.s32 $_size__tile_overlayer_lowered;
	s7 =	simm.s32 $_tile_overlayer_lowered  }
0xa1: {  	s22 =	simm.s32 $0x1BFF;
	s21 =	sshll.u32 s7, $0x1;
	s4 =	sadd.s32 s19, s18  }
0xa2: {  	s8 =	simm.s32 $0x0;
	s20 =	sshll.u32 s6, $0x1;
	s6 =	sadd.s32 s21, s4  }
0xa3: {  	[timem:s8], [sflag:s22] =	dma.local [hbm:s6], s20  }
0xa4: {  	_ =	swait.ge [sflag:s22], s20  }
0xa5: {  	s5 =	ssub.s32 $0x0, s20;
	[sflag:s22] =	ssyncset.done $0x0  }
0xa6: {  	[sflag:s22] =	ssyncadd.s32 s5;
	_ =	sdelay $0x1  }
0xa7: {  	s23 =	simm.s32 $0x1B8B  }
0xa8: {  	_ =	swait.ge [sflag:s23], $0x1  }
0xa9: {  	[sflag:s23] =	ssyncset.done $0x0  }
0xaa: {  	s25 =	simm.s32 $0x1B8E;
	s24 =	sld [smem:$0x3FFE];
	[sflag:s23] =	ssyncadd.s32 $0xFFFFFFFF  }
0xab: {  	s26 =	simm.s32 $execute0_lowered;
	[smem:$0x3FD2] =	sst s25  }
0xac: {  	s6 =	sshll.u32 s26, $0x1;
	_ =	strace $0x80000046;
	[dreg:$0x1] =	wrdreg $0xFFFFFFFF  }
0xad: {  	s28 =	simm.s32 $_size_execute0_lowered;
	s4 =	sadd.s32 s4, s6;
	[dreg:$0x0] =	wrdreg $0x0  }
0xae: {  	s6 =	sshll.u32 s28, $0x1;
	[dreg:$0x2] =	wrdreg s4  }
0xaf: {  	[dreg:$0x3] =	wrdreg s6  }
0xb0: {  	[dreg:$0x4] =	wrdreg $0xC0  }
0xb1: {  	_ =	task [dreg:s8], $0x5FFFF  }
0xb2: {  	[dreg:$0x1] =	wrdreg $0xFFFFFFFF  }
0xb3: {  	[dreg:$0x0] =	wrdreg $0x60  }
0xb4: {  	[dreg:$0x2] =	wrdreg s15  }
0xb5: {  	[dreg:$0x3] =	wrdreg s16  }
0xb6: {  	[dreg:$0x4] =	wrdreg s24  }
0xb7: {  	[dreg:$0x5] =	wrdreg $0x9  }
0xb8: {  	_ =	task.clear_ibuf [dreg:s8], $0x6FFFF;
	_ =	strace $0x90000046  }
0xb9: {  	s29 =	simm.s32 $0x9;
	_ =	strace $0x80000048  }
0xba: {  	_ =	swait.ge [sflag:s29], $0x1  }
0xbb: {  	[sflag:s29] =	ssyncadd.s32 $0xFFFFFFFF  }
0xbc: {  	_ =	strace $0x90000048  }
0xbd: {  	_ =	sfence  }
0xbe: {  	s30 =	sld [smem:$0x0];
	_ =	sdelay $0x2  }
0xbf: {  	s31 =	sshll.u32 s1, $0xD;
	s1 =	sshrl.u32 s1, $0x2  }
0xc0: {  	s3 =	sand.u32 $0x4000, s31;
	s1 =	sadd.s32 s1, s30  }
0xc1: {  	s0 =	sor.u32 s3, s0;
	s1 =	sshll.u32 s1, $0x11  }
0xc2: {  	s0 =	sor.u32 s1, s0  }
0xc3: {  	s0 =	sadd.s32 $0x8F2B, s0  }
0xc4: {  	[sflag:s0] =	ssyncadd.remote.s32 $0x1  }
0xc5: {  	_ =	sfence.sel $0xFFFF  }
0xc6: {  	[dreg:$0x0] =	wrdreg $0xFFFFFFFF;
	(pc) =	sbr.abs _section_cstart, $3  }
0xc7: {  	[dreg:$0x1] =	wrdreg $0xFFFFFFFF  }
0xc8: {  	_ =	task.clear_ibuf [dreg:s8], $0x2FFFF;
	_ =	strace $0x9FFFFFFF  }
0xc9: {  	(tm) =	ssettm $0x7FFFFFFF  }
tec
execute0_lowered:
.L_overlay_start_1:
0x0: {  	(tag) =	ssettag $0x1  }
0x1: {  	s1 =	rddreg [dreg:$0x0]  }
0x2: {  	s2 =	srdreg.scid;
	s4 =	rddreg [dreg:$0x1]  }
0x3: {  	s0 =	stileid.u32;
	s5 =	rddreg [dreg:$0x2];
	s3 =	simm.s32 $0x0  }
0x4: {  	s19 =	simm.s32 $0x900;
	s20 =	simm.s32 $0x1100;
	s21 =	simm.s32 $0x1900  }
0x5: {  	s23 =	simm.s32 $0x2100;
	s24 =	simm.s32 $0x2900;
	s25 =	simm.s32 $0x3100  }
0x6: {  	s26 =	simm.s32 $0x3900;
	s8 =	simm.s32 $0x4900;
	s9 =	simm.s32 $0x5100  }
0x7: {  	s10 =	simm.s32 $0x5900;
	s11 =	simm.s32 $0x6100;
	s12 =	simm.s32 $0x6900  }
0x8: {  	s13 =	simm.s32 $0x7100;
	s14 =	simm.s32 $0x7900;
	[smem:$0x7FF] =	sst s3  }
0x9: {  	s15 =	simm.s32 $0x8100;
	_ =	strace $0x80000047;
	[dreg:$0x6] =	wrdreg s19  }
0xa: {  	s16 =	simm.s32 $0x8900;
	s17 =	simm.s32 $0x9100;
	[dreg:$0x7] =	wrdreg s20  }
0xb: {  	s28 =	simm.s32 $0xE100;
	s29 =	simm.s32 $0xE900;
	[dreg:$0x8] =	wrdreg s21  }
0xc: {  	s30 =	simm.s32 $0xF100;
	s31 =	simm.s32 $0xF900;
	[dreg:$0x9] =	wrdreg s23  }
0xd: {  	s2 =	sand.u32 $0x1, s2;
	s6 =	sshll.u32 s0, $0x9;
	[dreg:$0xa] =	wrdreg s24  }
0xe: {  	s7 =	sshll.u32 s2, $0x8;
	s2 =	ssub.s32 $0x2, s2;
	[dreg:$0xb] =	wrdreg s25  }
0xf: {  	[dreg:$0xc] =	wrdreg s26;
	s19 =	simm.s32 $0xA100;
	s20 =	simm.s32 $0xA900  }
0x10: {  	s21 =	simm.s32 $0xB100;
	s23 =	simm.s32 $0xC100;
	s24 =	simm.s32 $0xC900  }
0x11: {  	s25 =	simm.s32 $0xD100;
	s26 =	simm.s32 $0xD900;
	s6 =	sor.u32 s7, s6  }
0x12: {  	s22 =	sshrl.u32 s2, $0x1;
	s7 =	sshll.u32 s6, $0x5;
	s6 =	sshrl.u32 s6, $0x3  }
0x13: {  	s2 =	ssub.s32 s2, s22;
	s22 =	simm.s32 $0xB900;
	s4 =	sadd.s32 s4, s6  }
0x14: {  	v2 =	vlaneseq.u32;
	s5 =	sadd.s32 s7, s5;
	s6 =	simm.s32 $0x100;
	[dreg:$0x4] =	wrdreg s4  }
0x15: {  	vm0 =	vmmov $0xffff;
	v1 =	vshrl.u32 v2, $0x3;
	s18 =	sadd.s32 $0x1000, s5;
	s4 =	smax.u32 s2, $0x1;
	s5 =	simm.s32 $0x2  }
0x16: {  	v0 =	vand.u32 $0x7, v2;
	v2 =	vor.u32 $0x8, v2;
	v1 =	vmul.u32 $0x8, v1;
	s2 =	simm.s32 $0x1;
	[dreg:$0x5] =	wrdreg s18;
	s18 =	simm.s32 $0x9900  }
.LBB2_1:
0x17: {  	s0 =	rddreg [dreg:$0x4]  }
0x18: {  	[tilespmem:s3], [sflag:$0x2] =	stream.linear.gather [hbm4b:s0+s3], $0x100, $0x38;
	[tilespmem:$0x10100] =	vst v63  }
0x19: {  	_ =	swait.ge [sflag:s5], $0x100  }
0x1a: {  	[sflag:s5] =	ssyncset.done $0x0  }
0x1b: {  	[sflag:s5] =	ssyncadd.s32 $0xFFFFFF00  }
0x1c: {  	v3 =	vld [tilespmem:$0x0];
	_ =	sdelay $0x4  }
0x1d: {  	v4 =	vshll.u32 v3, $0x1  }
0x1e: {  	v3 =	vand.u32 $0x7, v3;
	v4 =	vand.u32 $0xFFFFFFF0, v4  }
0x1f: {  	v3 =	vor.u32 v3, v4  }
0x20: {  	v4 =	vperm.xlane v3, v0;
	_ =	sdelay $0x1  }
0x21: {  	v3 =	vperm.xlane v3, v2;
	v4 =	vadd.s32 v1, v4;
	_ =	sdelay $0x1  }
0x22: {  	v3 =	vadd.s32 v1, v3;
	_ =	sdelay $0x2  }
0x23: {  	[tilespmem:s6], [sflag:$0x1] =	stream.indirect_vreg.gather [hbm4b:s1+s3], $0x80, v4, vm0, $0xb8;
	[tilespmem:$0x10100] =	vst v63  }
0x24: {  	s7 =	rddreg [dreg:$0x6]  }
0x25: {  	[tilespmem:s7], [sflag:$0x1] =	stream.indirect_vreg.gather [hbm4b:s1+s3], $0x80, v3, vm0, $0xb8;
	[tilespmem:$0x10100] =	vst v63  }
0x26: {  	v3 =	vld [tilespmem:$0x10];
	_ =	sdelay $0x4  }
0x27: {  	v49 =	vshll.u32 v3, $0x1  }
0x28: {  	v3 =	vand.u32 $0x7, v3;
	v4 =	vand.u32 $0xFFFFFFF0, v49  }
0x29: {  	v3 =	vor.u32 v3, v4  }
0x2a: {  	v4 =	vperm.xlane v3, v0;
	_ =	sdelay $0x1  }
0x2b: {  	v3 =	vperm.xlane v3, v2;
	v4 =	vadd.s32 v1, v4;
	_ =	sdelay $0x1  }
0x2c: {  	v3 =	vadd.s32 v1, v3;
	_ =	sdelay $0x1  }
0x2d: {  	s0 =	rddreg [dreg:$0x7]  }
0x2e: {  	[tilespmem:s0], [sflag:$0x1] =	stream.indirect_vreg.gather [hbm4b:s1+s3], $0x80, v4, vm0, $0xb8;
	[tilespmem:$0x10100] =	vst v63  }
0x2f: {  	s7 =	rddreg [dreg:$0x8]  }
0x30: {  	[tilespmem:s7], [sflag:$0x1] =	stream.indirect_vreg.gather [hbm4b:s1+s3], $0x80, v3, vm0, $0xb8;
	[tilespmem:$0x10100] =	vst v63  }
0x31: {  	v3 =	vld [tilespmem:$0x20];
	_ =	sdelay $0x4  }
0x32: {  	v50 =	vshll.u32 v3, $0x1  }
0x33: {  	v3 =	vand.u32 $0x7, v3;
	v4 =	vand.u32 $0xFFFFFFF0, v50  }
0x34: {  	v3 =	vor.u32 v3, v4  }
0x35: {  	v4 =	vperm.xlane v3, v0;
	_ =	sdelay $0x1  }
0x36: {  	v3 =	vperm.xlane v3, v2;
	v4 =	vadd.s32 v1, v4;
	_ =	sdelay $0x1  }
0x37: {  	v3 =	vadd.s32 v1, v3;
	_ =	sdelay $0x1  }
0x38: {  	s0 =	rddreg [dreg:$0x9]  }
0x39: {  	[tilespmem:s0], [sflag:$0x1] =	stream.indirect_vreg.gather [hbm4b:s1+s3], $0x80, v4, vm0, $0xb8;
	[tilespmem:$0x10100] =	vst v63  }
0x3a: {  	s7 =	rddreg [dreg:$0xa]  }
0x3b: {  	[tilespmem:s7], [sflag:$0x1] =	stream.indirect_vreg.gather [hbm4b:s1+s3], $0x80, v3, vm0, $0xb8;
	[tilespmem:$0x10100] =	vst v63  }
0x3c: {  	v3 =	vld [tilespmem:$0x30];
	_ =	sdelay $0x4  }
0x3d: {  	v51 =	vshll.u32 v3, $0x1  }
0x3e: {  	v3 =	vand.u32 $0x7, v3;
	v4 =	vand.u32 $0xFFFFFFF0, v51  }
0x3f: {  	v3 =	vor.u32 v3, v4  }
0x40: {  	v4 =	vperm.xlane v3, v0;
	_ =	sdelay $0x1  }
0x41: {  	v3 =	vperm.xlane v3, v2;
	v4 =	vadd.s32 v1, v4;
	_ =	sdelay $0x1  }
0x42: {  	v3 =	vadd.s32 v1, v3;
	_ =	sdelay $0x1  }
0x43: {  	s0 =	rddreg [dreg:$0xb]  }
0x44: {  	[tilespmem:s0], [sflag:$0x1] =	stream.indirect_vreg.gather [hbm4b:s1+s3], $0x80, v4, vm0, $0xb8;
	[tilespmem:$0x10100] =	vst v63  }
0x45: {  	s7 =	rddreg [dreg:$0xc]  }
0x46: {  	[tilespmem:s7], [sflag:$0x1] =	stream.indirect_vreg.gather [hbm4b:s1+s3], $0x80, v3, vm0, $0xb8;
	[tilespmem:$0x10100] =	vst v63  }
0x47: {  	v3 =	vld [tilespmem:$0x40];
	_ =	sdelay $0x4  }
0x48: {  	v52 =	vshll.u32 v3, $0x1  }
0x49: {  	v3 =	vand.u32 $0x7, v3;
	v4 =	vand.u32 $0xFFFFFFF0, v52  }
0x4a: {  	v3 =	vor.u32 v3, v4  }
0x4b: {  	v4 =	vperm.xlane v3, v0;
	_ =	sdelay $0x1  }
0x4c: {  	v3 =	vperm.xlane v3, v2;
	v4 =	vadd.s32 v1, v4;
	_ =	sdelay $0x1  }
0x4d: {  	v3 =	vadd.s32 v1, v3;
	_ =	sdelay $0x1  }
0x4e: {  	s7 =	simm.s32 $0x4100  }
0x4f: {  	[tilespmem:s7], [sflag:$0x1] =	stream.indirect_vreg.gather [hbm4b:s1+s3], $0x80, v4, vm0, $0xb8;
	[tilespmem:$0x10100] =	vst v63  }
0x50: {  	_ = 	snop  }
0x51: {  	[tilespmem:s8], [sflag:$0x1] =	stream.indirect_vreg.gather [hbm4b:s1+s3], $0x80, v3, vm0, $0xb8;
	[tilespmem:$0x10100] =	vst v63  }
0x52: {  	v3 =	vld [tilespmem:$0x50];
	_ =	sdelay $0x4  }
0x53: {  	v53 =	vshll.u32 v3, $0x1  }
0x54: {  	v3 =	vand.u32 $0x7, v3;
	v4 =	vand.u32 $0xFFFFFFF0, v53  }
0x55: {  	v3 =	vor.u32 v3, v4  }
0x56: {  	v4 =	vperm.xlane v3, v0;
	_ =	sdelay $0x1  }
0x57: {  	v3 =	vperm.xlane v3, v2;
	v4 =	vadd.s32 v1, v4;
	_ =	sdelay $0x1  }
0x58: {  	v3 =	vadd.s32 v1, v3;
	_ =	sdelay $0x2  }
0x59: {  	[tilespmem:s9], [sflag:$0x1] =	stream.indirect_vreg.gather [hbm4b:s1+s3], $0x80, v4, vm0, $0xb8;
	[tilespmem:$0x10100] =	vst v63  }
0x5a: {  	_ = 	snop  }
0x5b: {  	[tilespmem:s10], [sflag:$0x1] =	stream.indirect_vreg.gather [hbm4b:s1+s3], $0x80, v3, vm0, $0xb8;
	[tilespmem:$0x10100] =	vst v63  }
0x5c: {  	v3 =	vld [tilespmem:$0x60];
	_ =	sdelay $0x4  }
0x5d: {  	v54 =	vshll.u32 v3, $0x1  }
0x5e: {  	v3 =	vand.u32 $0x7, v3;
	v4 =	vand.u32 $0xFFFFFFF0, v54  }
0x5f: {  	v3 =	vor.u32 v3, v4  }
0x60: {  	v4 =	vperm.xlane v3, v0;
	_ =	sdelay $0x1  }
0x61: {  	v3 =	vperm.xlane v3, v2;
	v4 =	vadd.s32 v1, v4;
	_ =	sdelay $0x1  }
0x62: {  	v3 =	vadd.s32 v1, v3;
	_ =	sdelay $0x2  }
0x63: {  	[tilespmem:s11], [sflag:$0x1] =	stream.indirect_vreg.gather [hbm4b:s1+s3], $0x80, v4, vm0, $0xb8;
	[tilespmem:$0x10100] =	vst v63  }
0x64: {  	_ = 	snop  }
0x65: {  	[tilespmem:s12], [sflag:$0x1] =	stream.indirect_vreg.gather [hbm4b:s1+s3], $0x80, v3, vm0, $0xb8;
	[tilespmem:$0x10100] =	vst v63  }
0x66: {  	v3 =	vld [tilespmem:$0x70];
	_ =	sdelay $0x4  }
0x67: {  	v55 =	vshll.u32 v3, $0x1  }
0x68: {  	v3 =	vand.u32 $0x7, v3;
	v4 =	vand.u32 $0xFFFFFFF0, v55  }
0x69: {  	v3 =	vor.u32 v3, v4  }
0x6a: {  	v4 =	vperm.xlane v3, v0;
	_ =	sdelay $0x1  }
0x6b: {  	v3 =	vperm.xlane v3, v2;
	v4 =	vadd.s32 v1, v4;
	_ =	sdelay $0x1  }
0x6c: {  	v3 =	vadd.s32 v1, v3;
	_ =	sdelay $0x2  }
0x6d: {  	[tilespmem:s13], [sflag:$0x1] =	stream.indirect_vreg.gather [hbm4b:s1+s3], $0x80, v4, vm0, $0xb8;
	[tilespmem:$0x10100] =	vst v63  }
0x6e: {  	_ = 	snop  }
0x6f: {  	[tilespmem:s14], [sflag:$0x1] =	stream.indirect_vreg.gather [hbm4b:s1+s3], $0x80, v3, vm0, $0xb8;
	[tilespmem:$0x10100] =	vst v63  }
0x70: {  	v3 =	vld [tilespmem:$0x80];
	_ =	sdelay $0x4  }
0x71: {  	v56 =	vshll.u32 v3, $0x1  }
0x72: {  	v3 =	vand.u32 $0x7, v3;
	v4 =	vand.u32 $0xFFFFFFF0, v56  }
0x73: {  	v3 =	vor.u32 v3, v4  }
0x74: {  	v4 =	vperm.xlane v3, v0;
	_ =	sdelay $0x1  }
0x75: {  	v3 =	vperm.xlane v3, v2;
	v4 =	vadd.s32 v1, v4;
	_ =	sdelay $0x1  }
0x76: {  	v3 =	vadd.s32 v1, v3;
	_ =	sdelay $0x2  }
0x77: {  	[tilespmem:s15], [sflag:$0x1] =	stream.indirect_vreg.gather [hbm4b:s1+s3], $0x80, v4, vm0, $0xb8;
	[tilespmem:$0x10100] =	vst v63  }
0x78: {  	_ = 	snop  }
0x79: {  	[tilespmem:s16], [sflag:$0x1] =	stream.indirect_vreg.gather [hbm4b:s1+s3], $0x80, v3, vm0, $0xb8;
	[tilespmem:$0x10100] =	vst v63  }
0x7a: {  	v3 =	vld [tilespmem:$0x90];
	_ =	sdelay $0x4  }
0x7b: {  	v57 =	vshll.u32 v3, $0x1  }
0x7c: {  	v3 =	vand.u32 $0x7, v3;
	v4 =	vand.u32 $0xFFFFFFF0, v57  }
0x7d: {  	v3 =	vor.u32 v3, v4  }
0x7e: {  	v4 =	vperm.xlane v3, v0;
	_ =	sdelay $0x1  }
0x7f: {  	v3 =	vperm.xlane v3, v2;
	v4 =	vadd.s32 v1, v4;
	_ =	sdelay $0x1  }
0x80: {  	v3 =	vadd.s32 v1, v3;
	_ =	sdelay $0x2  }
0x81: {  	[tilespmem:s17], [sflag:$0x1] =	stream.indirect_vreg.gather [hbm4b:s1+s3], $0x80, v4, vm0, $0xb8;
	[tilespmem:$0x10100] =	vst v63  }
0x82: {  	_ = 	snop  }
0x83: {  	[tilespmem:s18], [sflag:$0x1] =	stream.indirect_vreg.gather [hbm4b:s1+s3], $0x80, v3, vm0, $0xb8;
	[tilespmem:$0x10100] =	vst v63  }
0x84: {  	v3 =	vld [tilespmem:$0xA0];
	_ =	sdelay $0x4  }
0x85: {  	v58 =	vshll.u32 v3, $0x1  }
0x86: {  	v3 =	vand.u32 $0x7, v3;
	v4 =	vand.u32 $0xFFFFFFF0, v58  }
0x87: {  	v3 =	vor.u32 v3, v4  }
0x88: {  	v4 =	vperm.xlane v3, v0;
	_ =	sdelay $0x1  }
0x89: {  	v3 =	vperm.xlane v3, v2;
	v4 =	vadd.s32 v1, v4;
	_ =	sdelay $0x1  }
0x8a: {  	v3 =	vadd.s32 v1, v3;
	_ =	sdelay $0x2  }
0x8b: {  	[tilespmem:s19], [sflag:$0x1] =	stream.indirect_vreg.gather [hbm4b:s1+s3], $0x80, v4, vm0, $0xb8;
	[tilespmem:$0x10100] =	vst v63  }
0x8c: {  	_ = 	snop  }
0x8d: {  	[tilespmem:s20], [sflag:$0x1] =	stream.indirect_vreg.gather [hbm4b:s1+s3], $0x80, v3, vm0, $0xb8;
	[tilespmem:$0x10100] =	vst v63  }
0x8e: {  	v3 =	vld [tilespmem:$0xB0];
	_ =	sdelay $0x4  }
0x8f: {  	v59 =	vshll.u32 v3, $0x1  }
0x90: {  	v3 =	vand.u32 $0x7, v3;
	v4 =	vand.u32 $0xFFFFFFF0, v59  }
0x91: {  	v3 =	vor.u32 v3, v4  }
0x92: {  	v4 =	vperm.xlane v3, v0;
	_ =	sdelay $0x1  }
0x93: {  	v3 =	vperm.xlane v3, v2;
	v4 =	vadd.s32 v1, v4;
	_ =	sdelay $0x1  }
0x94: {  	v3 =	vadd.s32 v1, v3;
	_ =	sdelay $0x2  }
0x95: {  	[tilespmem:s21], [sflag:$0x1] =	stream.indirect_vreg.gather [hbm4b:s1+s3], $0x80, v4, vm0, $0xb8;
	[tilespmem:$0x10100] =	vst v63  }
0x96: {  	_ = 	snop  }
0x97: {  	[tilespmem:s22], [sflag:$0x1] =	stream.indirect_vreg.gather [hbm4b:s1+s3], $0x80, v3, vm0, $0xb8;
	[tilespmem:$0x10100] =	vst v63  }
0x98: {  	v3 =	vld [tilespmem:$0xC0];
	_ =	sdelay $0x4  }
0x99: {  	v60 =	vshll.u32 v3, $0x1  }
0x9a: {  	v3 =	vand.u32 $0x7, v3;
	v4 =	vand.u32 $0xFFFFFFF0, v60  }
0x9b: {  	v3 =	vor.u32 v3, v4  }
0x9c: {  	v4 =	vperm.xlane v3, v0;
	_ =	sdelay $0x1  }
0x9d: {  	v3 =	vperm.xlane v3, v2;
	v4 =	vadd.s32 v1, v4;
	_ =	sdelay $0x1  }
0x9e: {  	v3 =	vadd.s32 v1, v3;
	_ =	sdelay $0x2  }
0x9f: {  	[tilespmem:s23], [sflag:$0x1] =	stream.indirect_vreg.gather [hbm4b:s1+s3], $0x80, v4, vm0, $0xb8;
	[tilespmem:$0x10100] =	vst v63  }
0xa0: {  	_ = 	snop  }
0xa1: {  	[tilespmem:s24], [sflag:$0x1] =	stream.indirect_vreg.gather [hbm4b:s1+s3], $0x80, v3, vm0, $0xb8;
	[tilespmem:$0x10100] =	vst v63  }
0xa2: {  	v3 =	vld [tilespmem:$0xD0];
	_ =	sdelay $0x4  }
0xa3: {  	v61 =	vshll.u32 v3, $0x1  }
0xa4: {  	v3 =	vand.u32 $0x7, v3;
	v4 =	vand.u32 $0xFFFFFFF0, v61  }
0xa5: {  	v3 =	vor.u32 v3, v4  }
0xa6: {  	v4 =	vperm.xlane v3, v0;
	_ =	sdelay $0x1  }
0xa7: {  	v3 =	vperm.xlane v3, v2;
	v4 =	vadd.s32 v1, v4;
	_ =	sdelay $0x1  }
0xa8: {  	v3 =	vadd.s32 v1, v3;
	_ =	sdelay $0x2  }
0xa9: {  	[tilespmem:s25], [sflag:$0x1] =	stream.indirect_vreg.gather [hbm4b:s1+s3], $0x80, v4, vm0, $0xb8;
	[tilespmem:$0x10100] =	vst v63  }
0xaa: {  	_ = 	snop  }
0xab: {  	[tilespmem:s26], [sflag:$0x1] =	stream.indirect_vreg.gather [hbm4b:s1+s3], $0x80, v3, vm0, $0xb8;
	[tilespmem:$0x10100] =	vst v63  }
0xac: {  	v3 =	vld [tilespmem:$0xE0];
	_ =	sdelay $0x4  }
0xad: {  	v62 =	vshll.u32 v3, $0x1  }
0xae: {  	v3 =	vand.u32 $0x7, v3;
	v4 =	vand.u32 $0xFFFFFFF0, v62  }
0xaf: {  	v3 =	vor.u32 v3, v4  }
0xb0: {  	v4 =	vperm.xlane v3, v0;
	_ =	sdelay $0x1  }
0xb1: {  	v3 =	vperm.xlane v3, v2;
	v4 =	vadd.s32 v1, v4;
	_ =	sdelay $0x1  }
0xb2: {  	v3 =	vadd.s32 v1, v3;
	_ =	sdelay $0x2  }
0xb3: {  	[tilespmem:s28], [sflag:$0x1] =	stream.indirect_vreg.gather [hbm4b:s1+s3], $0x80, v4, vm0, $0xb8;
	[tilespmem:$0x10100] =	vst v63  }
0xb4: {  	_ = 	snop  }
0xb5: {  	[tilespmem:s29], [sflag:$0x1] =	stream.indirect_vreg.gather [hbm4b:s1+s3], $0x80, v3, vm0, $0xb8;
	[tilespmem:$0x10100] =	vst v63  }
0xb6: {  	v3 =	vld [tilespmem:$0xF0];
	_ =	sdelay $0x4  }
0xb7: {  	v63 =	vshll.u32 v3, $0x1  }
0xb8: {  	v3 =	vand.u32 $0x7, v3;
	v4 =	vand.u32 $0xFFFFFFF0, v63  }
0xb9: {  	v3 =	vor.u32 v3, v4  }
0xba: {  	v4 =	vperm.xlane v3, v0;
	_ =	sdelay $0x1  }
0xbb: {  	v3 =	vperm.xlane v3, v2;
	v4 =	vadd.s32 v1, v4;
	_ =	sdelay $0x1  }
0xbc: {  	v3 =	vadd.s32 v1, v3;
	_ =	sdelay $0x2  }
0xbd: {  	[tilespmem:s30], [sflag:$0x1] =	stream.indirect_vreg.gather [hbm4b:s1+s3], $0x80, v4, vm0, $0xb8;
	[tilespmem:$0x10100] =	vst v63  }
0xbe: {  	_ = 	snop  }
0xbf: {  	[tilespmem:s31], [sflag:$0x1] =	stream.indirect_vreg.gather [hbm4b:s1+s3], $0x80, v3, vm0, $0xb8;
	[tilespmem:$0x10100] =	vst v63  }
0xc0: {  	_ =	swait.ge [sflag:s2], $0x10000  }
0xc1: {  	p0 =	sne.s32 s4, $0x1;
	[sflag:s2] =	ssyncset.done $0x0  }
.Ltmp0:
0xc2: {  	s7 =	rddreg [dreg:$0x5];
	[sflag:s2] =	ssyncadd.s32 $0xFFFF0000;
	(pc) =	sbr.rel @p0 .LBB2_1-.Ltmp0, $4  }
0xc3: {  	[hbm4b:s7+s3] =	stream.linear.scatter [tilespmem:s6], [sflag:$0x2], $0x10000, $0x38;
	[tilespmem:$0x10100] =	vst v63  }
0xc4: {  	_ =	swait.ge [sflag:s5], $0x10000  }
0xc5: {  	[sflag:s5] =	ssyncset.done $0x0  }
0xc6: {  	s4 =	sadd.s32 $0xFFFFFFFF, s4;
	[sflag:s5] =	ssyncadd.s32 $0xFFFF0000  }
0xc7: {  	_ =	sfence.sel $0x180000  }
0xc8: {  	[bflag:$0x0] =	sbarrier.arrive $0xFFFF  }
0xc9: {  	_ =	strace $0x90000047  }
0xca: {  	s0 =	stileid.u32;
	[bflag:$0x2] =	sbarrier.arrive $0xFFFF  }
0xcb: {  	p0 =	sne.s32 s0, $0x0;
	s0 =	rddreg [dreg:$0x3]  }
0xcc: {  	s0 =	sadd.s32 @!p0 $0x100000, s0  }
0xcd: {  	[sflag:s0] =	ssyncadd.tile.s32 @!p0 $0x1;
	_ =	shalt  }
.Lfunc_end2:
_tile_overlayer_lowered:
.L_overlay_start_2:
0xce: {  	(tag) =	ssettag $0x2  }
0xcf: {  	s0 =	rddreg [dreg:$0x0];
	s2 =	stileid.u32  }
0xd0: {  	s1 =	rddreg [dreg:$0x1];
	p0 =	sne.s32 s2, $0x0  }
0xd1: {  	s3 =	rddreg [dreg:$0x2];
	[bflag:$0x3] =	sbarrier.arrive $0xFFFF;
	s2 =	simm.s32 @!p0 $0x1C02  }
0xd2: {  	[timem:s3], [sflag:s2] =	dma.local @!p0 [hbm:s0], s1  }
0xd3: {  	s0 =	simm.s32 @!p0 $0x2  }
0xd4: {  	_ =	swait.ge @!p0 [sflag:s0], s1  }
0xd5: {  	s1 =	ssub.s32 @!p0 $0x0, s1;
	[sflag:s0] =	ssyncset.done @!p0 $0x0  }
0xd6: {  	[sflag:s0] =	ssyncadd.s32 @!p0 s1  }
0xd7: {  	[bflag:$0x3] =	sbarrier.arrive $0xFFFF  }
0xd8: {  	_ =	shalt  }

</sc_bundles>
